<compile_context>
chip_gen: v7x
topology: tpu7x:2x2x1
jax: 0.10.2.dev20260603
libtpu: 0.0.44.dev20260713+nightly
codegen_flags: <defaults>
</compile_context>

<pallas_src>
import functools

import jax
import jax.numpy as jnp
from jax import lax
from jax.experimental import pallas as pl
from jax.experimental.pallas import tpu as pltpu
from jax.experimental.pallas import tpu_sc as plsc

_F = 768
_H = 128
_ZD = 64
_QD = 32
_NZ = 1024
_NQ = 512
_TOK_BLK = 2048
_N_TOK = 8192
_DP = 128


def _gelu(v):
    return jax.nn.gelu(v)


def _enc_body(x_ref, we1_ref, be1_ref, we2_ref, be2_ref, wz_ref, bz_ref,
              cbzt_ref, ze_ref, zidx_ref):
    x = x_ref[...]
    h = _gelu(jnp.dot(x, we1_ref[...], preferred_element_type=jnp.float32)
              + be1_ref[...])
    h = _gelu(jnp.dot(h, we2_ref[...], preferred_element_type=jnp.float32)
              + be2_ref[...])
    z_e = (jnp.dot(h, wz_ref[...], preferred_element_type=jnp.float32)
           + bz_ref[...])
    cbzt = cbzt_ref[...]
    csq = jnp.sum(cbzt * cbzt, axis=0, keepdims=True)
    zsq = jnp.sum(z_e * z_e, axis=1, keepdims=True)
    d2 = (zsq + csq) - 2.0 * jnp.dot(
        z_e, cbzt, preferred_element_type=jnp.float32)
    minv = jnp.min(d2, axis=1, keepdims=True)
    iota_z = lax.broadcasted_iota(jnp.int32, d2.shape, 1)
    idx_z = jnp.min(jnp.where(d2 == minv, iota_z, _NZ), axis=1,
                    keepdims=True)
    ze_ref[...] = z_e
    zidx_ref[...] = idx_z


def _mid_dec_body(x_ref, zqp_ref, ze_ref, wq_ref, bq_ref, cbq_ref, cbqt_ref,
                  wd1_ref, bd1_ref, wd2_ref, bd2_ref, wo_ref, bo_ref,
                  zq_ref, qq_ref, qidx_ref, acc_ref):
    i = pl.program_id(0)
    z_q = zqp_ref[...][:, :_ZD]
    q_e = (jnp.dot(z_q, wq_ref[...], preferred_element_type=jnp.float32)
           + bq_ref[...])
    cbqt = cbqt_ref[...]
    csq_q = jnp.sum(cbqt * cbqt, axis=0, keepdims=True)
    qsq = jnp.sum(q_e * q_e, axis=1, keepdims=True)
    d2q = (qsq + csq_q) - 2.0 * jnp.dot(
        q_e, cbqt, preferred_element_type=jnp.float32)
    minv_q = jnp.min(d2q, axis=1, keepdims=True)
    iota_q = lax.broadcasted_iota(jnp.int32, d2q.shape, 1)
    idx_q = jnp.min(jnp.where(d2q == minv_q, iota_q, _NQ), axis=1,
                    keepdims=True)
    oh_q = (iota_q == idx_q).astype(jnp.float32)
    q_q = jnp.dot(oh_q, cbq_ref[...], preferred_element_type=jnp.float32)

    bf = jnp.bfloat16
    r = _gelu(jnp.dot(q_q.astype(bf), wd1_ref[...].astype(bf),
                      preferred_element_type=jnp.float32) + bd1_ref[...])
    r = _gelu(jnp.dot(r.astype(bf), wd2_ref[...].astype(bf),
                      preferred_element_type=jnp.float32) + bd2_ref[...])
    x_rec = (jnp.dot(r.astype(bf), wo_ref[...].astype(bf),
                     preferred_element_type=jnp.float32) + bo_ref[...])

    dr = x_rec - x_ref[...]
    dz = z_q - ze_ref[...]
    dq = q_q - q_e
    rs = jnp.sum(dr * dr)
    zs = jnp.sum(dz * dz)
    qs = jnp.sum(dq * dq)

    zq_ref[...] = z_q
    qq_ref[...] = q_q
    qidx_ref[...] = idx_q
    lane = lax.broadcasted_iota(jnp.int32, (1, 128), 1)
    vec = (jnp.where(lane == 0, rs, 0.0)
           + jnp.where(lane == 1, zs, 0.0)
           + jnp.where(lane == 2, qs, 0.0))

    @pl.when(i == 0)
    def _init():
        acc_ref[...] = vec

    @pl.when(i > 0)
    def _accum():
        acc_ref[...] = acc_ref[...] + vec


def _make_sc_gather(n_rows):
    info = plsc.get_sparse_core_info()
    nw = info.num_cores * info.num_subcores
    b_per_w = _N_TOK // nw
    n_chunk = max(1, b_per_w // 32)
    chunk = b_per_w // n_chunk
    mesh = plsc.VectorSubcoreMesh(core_axis_name="c", subcore_axis_name="s")

    @functools.partial(
        pl.kernel, mesh=mesh,
        out_type=jax.ShapeDtypeStruct((_N_TOK, _DP), jnp.float32),
        scratch_types=[
            pltpu.VMEM((b_per_w,), jnp.int32),
            pltpu.VMEM((b_per_w, _DP), jnp.float32),
            pltpu.VMEM_SHARED((n_rows, _DP), jnp.float32),
            pltpu.SemaphoreType.DMA,
        ],
    )
    def g(table_hbm, idx_hbm, out_hbm, idx_v, rows_v, tbl_sh, sem):
        sid = lax.axis_index("s")
        wid = sid * info.num_cores + lax.axis_index("c")
        base = wid * b_per_w

        @pl.when(sid == 0)
        def _stage():
            pltpu.sync_copy(table_hbm, tbl_sh)

        pltpu.sync_copy(idx_hbm.at[pl.ds(base, b_per_w)], idx_v)
        plsc.subcore_barrier()
        cps = [pltpu.async_copy(
                   tbl_sh.at[idx_v.at[pl.ds(c * chunk, chunk)]],
                   rows_v.at[pl.ds(c * chunk, chunk)], sem)
               for c in range(n_chunk)]
        for cp in cps:
            cp.wait()
        pltpu.sync_copy(rows_v, out_hbm.at[pl.ds(base, b_per_w)])

    return g


def kernel(x, W_e1, b_e1, W_e2, b_e2, W_z, b_z, cb_z, W_q, b_q, cb_q,
           W_d1, b_d1, W_d2, b_d2, W_o, b_o):
    B, S, F = x.shape
    N = B * S
    xf = x.reshape(N, F)
    T = _TOK_BLK
    grid = (N // T,)
    full = lambda shape: pl.BlockSpec(shape, lambda i: (0, 0))
    params = pltpu.CompilerParams(dimension_semantics=("arbitrary",))

    cbz_pad = jnp.concatenate(
        [cb_z, jnp.zeros((_NZ, _DP - _ZD), jnp.float32)], axis=1)

    z_e, z_idx = pl.pallas_call(
        _enc_body,
        grid=grid,
        in_specs=[
            pl.BlockSpec((T, F), lambda i: (i, 0)),
            full((F, 64)), full((1, 64)),
            full((64, _H)), full((1, _H)),
            full((_H, _ZD)), full((1, _ZD)),
            full((_ZD, _NZ)),
        ],
        out_specs=(
            pl.BlockSpec((T, _ZD), lambda i: (i, 0)),
            pl.BlockSpec((T, 1), lambda i: (i, 0)),
        ),
        out_shape=(
            jax.ShapeDtypeStruct((N, _ZD), jnp.float32),
            jax.ShapeDtypeStruct((N, 1), jnp.int32),
        ),
        compiler_params=params,
    )(xf, W_e1.T, b_e1[None, :], W_e2.T, b_e2[None, :], W_z.T, b_z[None, :],
      cb_z.T)

    z_q_pad = _make_sc_gather(_NZ)(cbz_pad, z_idx.reshape(N))

    z_q, q_q, q_idx, parts = pl.pallas_call(
        _mid_dec_body,
        grid=grid,
        in_specs=[
            pl.BlockSpec((T, F), lambda i: (i, 0)),
            pl.BlockSpec((T, _DP), lambda i: (i, 0)),
            pl.BlockSpec((T, _ZD), lambda i: (i, 0)),
            full((_ZD, _QD)), full((1, _QD)),
            full((_NQ, _QD)), full((_QD, _NQ)),
            full((_QD, 64)), full((1, 64)),
            full((64, _H)), full((1, _H)),
            full((_H, _F)), full((1, _F)),
        ],
        out_specs=(
            pl.BlockSpec((T, _ZD), lambda i: (i, 0)),
            pl.BlockSpec((T, _QD), lambda i: (i, 0)),
            pl.BlockSpec((T, 1), lambda i: (i, 0)),
            pl.BlockSpec((1, 128), lambda i: (0, 0)),
        ),
        out_shape=(
            jax.ShapeDtypeStruct((N, _ZD), jnp.float32),
            jax.ShapeDtypeStruct((N, _QD), jnp.float32),
            jax.ShapeDtypeStruct((N, 1), jnp.int32),
            jax.ShapeDtypeStruct((1, 128), jnp.float32),
        ),
        compiler_params=params,
    )(xf, z_q_pad, z_e, W_q.T, b_q[None, :], cb_q, cb_q.T,
      W_d1.T, b_d1[None, :], W_d2.T, b_d2[None, :], W_o.T, b_o[None, :])

    loss = (parts[0, 0] / (N * _F)
            + 0.5 * (parts[0, 1] / (N * _ZD) + parts[0, 2] / (N * _QD)))
    return (z_q.reshape(B, S, _ZD), q_q.reshape(B, S, _QD),
            z_idx.reshape(B, S), q_idx.reshape(B, S), loss)

# --- scband reference (transcript-rebuilt; emitter-appended) ---
"""Pipeline reference for scband-hierarchical-lfqhvqvae-25409026523976 (READ-ONLY COPY).

The authoritative reference and input builder live on the scoring server;
editing this copy changes nothing except your own understanding.
"""

import jax, jax.numpy as jnp
import numpy as np

FEATURE_DIM = 768
HIDDEN_DIM = 128
Z_DIM = 64
Q_DIM = 32
NUM_Z_CODES = 1024
NUM_Q_CODES = 512
B, S = 4, 2048


def _lin_init(key, out_dim, in_dim):
    k1, k2 = jax.random.split(key)
    scale = 1.0 / np.sqrt(in_dim)
    W = jax.random.uniform(k1, (out_dim, in_dim), minval=-scale, maxval=scale, dtype=jnp.float32)
    b = jax.random.uniform(k2, (out_dim,), minval=-scale, maxval=scale, dtype=jnp.float32)
    return W, b


def setup_inputs(seed: int = 0) -> dict:
    key = jax.random.key(seed)
    ks = jax.random.split(key, 12)
    x = jax.random.normal(ks[0], (B, S, FEATURE_DIM), dtype=jnp.float32)
    W_e1, b_e1 = _lin_init(ks[1], 64, FEATURE_DIM)
    W_e2, b_e2 = _lin_init(ks[2], HIDDEN_DIM, 64)
    W_z, b_z = _lin_init(ks[3], Z_DIM, HIDDEN_DIM)
    cb_z = jax.random.normal(ks[4], (NUM_Z_CODES, Z_DIM), dtype=jnp.float32) * np.sqrt(2.0 / Z_DIM)
    W_q, b_q = _lin_init(ks[5], Q_DIM, Z_DIM)
    cb_q = jax.random.normal(ks[6], (NUM_Q_CODES, Q_DIM), dtype=jnp.float32) * np.sqrt(2.0 / Q_DIM)
    W_d1, b_d1 = _lin_init(ks[7], 64, Q_DIM)
    W_d2, b_d2 = _lin_init(ks[8], HIDDEN_DIM, 64)
    W_o, b_o = _lin_init(ks[9], FEATURE_DIM, HIDDEN_DIM)
    return {"x": x, "W_e1": W_e1, "b_e1": b_e1, "W_e2": W_e2, "b_e2": b_e2,
            "W_z": W_z, "b_z": b_z, "cb_z": cb_z, "W_q": W_q, "b_q": b_q,
            "cb_q": cb_q, "W_d1": W_d1, "b_d1": b_d1, "W_d2": W_d2,
            "b_d2": b_d2, "W_o": W_o, "b_o": b_o}


def _quantize(z_e, codebook):
    # argmin over squared L2 distance (same argmin as torch.norm-based distance)
    d2 = (jnp.sum(z_e * z_e, axis=-1, keepdims=True)
          + jnp.sum(codebook * codebook, axis=-1)[None, None, :]
          - 2.0 * jnp.einsum('bsd,nd->bsn', z_e, codebook))
    idx = jnp.argmin(d2, axis=-1)
    z_q = jnp.take(codebook, idx, axis=0)
    return z_q, idx


def reference(x, W_e1, b_e1, W_e2, b_e2, W_z, b_z, cb_z, W_q, b_q, cb_q,
              W_d1, b_d1, W_d2, b_d2, W_o, b_o):
    sg = jax.lax.stop_gradient
    h = jax.nn.gelu(x @ W_e1.T + b_e1)
    h = jax.nn.gelu(h @ W_e2.T + b_e2)
    z_e = h @ W_z.T + b_z
    z_q, z_idx = _quantize(z_e, cb_z)
    q_e = z_q @ W_q.T + b_q
    q_q, q_idx = _quantize(q_e, cb_q)
    rec = jax.nn.gelu(q_q @ W_d1.T + b_d1)
    rec = jax.nn.gelu(rec @ W_d2.T + b_d2)
    x_recon = rec @ W_o.T + b_o
    recon_loss = jnp.mean((x_recon - x) ** 2)
    commitment_loss = jnp.mean((sg(z_q) - z_e) ** 2) + jnp.mean((sg(q_q) - q_e) ** 2)
    codebook_loss = jnp.mean((z_q - sg(z_e)) ** 2) + jnp.mean((q_q - sg(q_e)) ** 2)
    loss = recon_loss + 0.25 * commitment_loss + 0.25 * codebook_loss
    return (sg(z_q), sg(q_q), z_idx, q_idx, loss)

if __name__ == "__main__":
    import jax
    _d = setup_inputs()
    print(jax.jit(kernel)(*tuple(_d.values())))

</pallas_src>

<mosaic_0001>
#map = affine_map<(d0, d1) -> (0, 0)>
#map1 = affine_map<(d0, d1) -> (0)>
module attributes {stable_mosaic.version = 14 : i64} {
  func.func @g(%arg0: i32, %arg1: i32, %arg2: memref<1024x128xf32, #tpu.memory_space<hbm>>, %arg3: memref<8192xi32, #tpu.memory_space<hbm>>, %arg4: memref<8192x128xf32, #tpu.memory_space<hbm>>, %arg5: memref<256xi32, #tpu.memory_space<vmem>>, %arg6: memref<256x128xf32, #tpu.memory_space<vmem>>, %arg7: memref<1024x128xf32, #tpu.memory_space<vmem_shared>>, %arg8: memref<!tpu.dma_semaphore, #tpu.memory_space<semaphore_mem>>) attributes {dimension_semantics = [#tpu.dimension_semantics<core_parallel>, #tpu.dimension_semantics<subcore_parallel>], iteration_bounds = array<i64: 2, 16>, scalar_prefetch = 0 : i64, scratch_operands = 4 : i64, tpu.core_type = #tpu.core_type<sc_vector_subcore>, window_params = [{transform_indices = #map}, {transform_indices = #map1}, {transform_indices = #map}]} {
    %mul3A = arith.constant 2 : i32
    %mul3A_0 = arith.muli %arg1, %mul3A : i32
    %add3A = arith.addi %mul3A_0, %arg0 : i32
    %mul3A_1 = arith.constant 256 : i32
    %mul3A_2 = arith.muli %add3A, %mul3A_1 : i32
    %eq3A = arith.constant 0 : i32
    %eq3A_3 = arith.cmpi eq, %arg1, %eq3A : i32
    %convert_element_type3A = arith.extui %eq3A_3 : i1 to i32
    %cond3A = arith.constant 0 : i32
    %cond3A_4 = arith.cmpi ne, %convert_element_type3A, %cond3A : i32
    scf.if %cond3A_4 {
      "tpu.region"() ({
        %run_scoped3A = tpu.sem_alloc : memref<!tpu.dma_semaphore, #tpu.memory_space<semaphore_mem>>
        tpu.enqueue_dma source(%arg2 : memref<1024x128xf32, #tpu.memory_space<hbm>>) target(%arg7 : memref<1024x128xf32, #tpu.memory_space<vmem_shared>>) target_semaphore(%run_scoped3A : memref<!tpu.dma_semaphore, #tpu.memory_space<semaphore_mem>>)
        tpu.wait_dma2 semaphore(%run_scoped3A : memref<!tpu.dma_semaphore, #tpu.memory_space<semaphore_mem>>) src(%arg2 : memref<1024x128xf32, #tpu.memory_space<hbm>>) dst(%arg7 : memref<1024x128xf32, #tpu.memory_space<vmem_shared>>)
        tpu.yield
      }) : () -> ()
    } else {
    }
    "tpu.region"() ({
      %run_scoped3A = tpu.sem_alloc : memref<!tpu.dma_semaphore, #tpu.memory_space<semaphore_mem>>
      %dma_start3A_131 = tpu.memref_slice %arg3[%mul3A_2] : memref<8192xi32, #tpu.memory_space<hbm>> -> memref<256xi32, #tpu.memory_space<hbm>>
      %dma_start3A_132 = tpu.memref_slice %arg3[%mul3A_2] : memref<8192xi32, #tpu.memory_space<hbm>> -> memref<256xi32, #tpu.memory_space<hbm>>
      tpu.enqueue_dma source(%dma_start3A_132 : memref<256xi32, #tpu.memory_space<hbm>>) target(%arg5 : memref<256xi32, #tpu.memory_space<vmem>>) target_semaphore(%run_scoped3A : memref<!tpu.dma_semaphore, #tpu.memory_space<semaphore_mem>>)
      %dma_wait3A_133 = tpu.memref_slice %arg3[%mul3A_2] : memref<8192xi32, #tpu.memory_space<hbm>> -> memref<256xi32, #tpu.memory_space<hbm>>
      %dma_wait3A_134 = tpu.memref_slice %arg3[%mul3A_2] : memref<8192xi32, #tpu.memory_space<hbm>> -> memref<256xi32, #tpu.memory_space<hbm>>
      tpu.wait_dma2 semaphore(%run_scoped3A : memref<!tpu.dma_semaphore, #tpu.memory_space<semaphore_mem>>) src(%dma_wait3A_134 : memref<256xi32, #tpu.memory_space<hbm>>) dst(%arg5 : memref<256xi32, #tpu.memory_space<vmem>>)
      tpu.yield
    }) : () -> ()
    %barrier3A = arith.constant 0 : index
    tpu.barrier barrier_id(%barrier3A)
    %dma_start3A = arith.constant 0 : i32
    %dma_start3A_5 = arith.constant 0 : i32
    %dma_start3A_6 = tpu.memref_slice %arg6[%dma_start3A, %dma_start3A_5] : memref<256x128xf32, #tpu.memory_space<vmem>> -> memref<32x128xf32, #tpu.memory_space<vmem>>
    %dma_start3A_7 = arith.constant 0 : i32
    %dma_start3A_8 = tpu.memref_slice %arg5[%dma_start3A_7] : memref<256xi32, #tpu.memory_space<vmem>> -> memref<32xi32, #tpu.memory_space<vmem>>
    %dma_start3A_9 = arith.constant 0 : i32
    %dma_start3A_10 = arith.constant 0 : i32
    %dma_start3A_11 = tpu.memref_slice %arg7[%dma_start3A_9, %dma_start3A_10] : memref<1024x128xf32, #tpu.memory_space<vmem_shared>> -> memref<1024x128xf32, #tpu.memory_space<vmem_shared>>
    tpu.enqueue_indirect_dma source(%dma_start3A_11 : memref<1024x128xf32, #tpu.memory_space<vmem_shared>>) target(%dma_start3A_6 : memref<32x128xf32, #tpu.memory_space<vmem>>) offsets(%dma_start3A_8 : memref<32xi32, #tpu.memory_space<vmem>>) semaphore(%arg8 : memref<!tpu.dma_semaphore, #tpu.memory_space<semaphore_mem>>)
    %dma_start3A_12 = arith.constant 32 : i32
    %dma_start3A_13 = arith.constant 0 : i32
    %dma_start3A_14 = tpu.memref_slice %arg6[%dma_start3A_12, %dma_start3A_13] : memref<256x128xf32, #tpu.memory_space<vmem>> -> memref<32x128xf32, #tpu.memory_space<vmem>>
    %dma_start3A_15 = arith.constant 32 : i32
    %dma_start3A_16 = tpu.memref_slice %arg5[%dma_start3A_15] : memref<256xi32, #tpu.memory_space<vmem>> -> memref<32xi32, #tpu.memory_space<vmem>>
    %dma_start3A_17 = arith.constant 0 : i32
    %dma_start3A_18 = arith.constant 0 : i32
    %dma_start3A_19 = tpu.memref_slice %arg7[%dma_start3A_17, %dma_start3A_18] : memref<1024x128xf32, #tpu.memory_space<vmem_shared>> -> memref<1024x128xf32, #tpu.memory_space<vmem_shared>>
    tpu.enqueue_indirect_dma source(%dma_start3A_19 : memref<1024x128xf32, #tpu.memory_space<vmem_shared>>) target(%dma_start3A_14 : memref<32x128xf32, #tpu.memory_space<vmem>>) offsets(%dma_start3A_16 : memref<32xi32, #tpu.memory_space<vmem>>) semaphore(%arg8 : memref<!tpu.dma_semaphore, #tpu.memory_space<semaphore_mem>>)
    %dma_start3A_20 = arith.constant 64 : i32
    %dma_start3A_21 = arith.constant 0 : i32
    %dma_start3A_22 = tpu.memref_slice %arg6[%dma_start3A_20, %dma_start3A_21] : memref<256x128xf32, #tpu.memory_space<vmem>> -> memref<32x128xf32, #tpu.memory_space<vmem>>
    %dma_start3A_23 = arith.constant 64 : i32
    %dma_start3A_24 = tpu.memref_slice %arg5[%dma_start3A_23] : memref<256xi32, #tpu.memory_space<vmem>> -> memref<32xi32, #tpu.memory_space<vmem>>
    %dma_start3A_25 = arith.constant 0 : i32
    %dma_start3A_26 = arith.constant 0 : i32
    %dma_start3A_27 = tpu.memref_slice %arg7[%dma_start3A_25, %dma_start3A_26] : memref<1024x128xf32, #tpu.memory_space<vmem_shared>> -> memref<1024x128xf32, #tpu.memory_space<vmem_shared>>
    tpu.enqueue_indirect_dma source(%dma_start3A_27 : memref<1024x128xf32, #tpu.memory_space<vmem_shared>>) target(%dma_start3A_22 : memref<32x128xf32, #tpu.memory_space<vmem>>) offsets(%dma_start3A_24 : memref<32xi32, #tpu.memory_space<vmem>>) semaphore(%arg8 : memref<!tpu.dma_semaphore, #tpu.memory_space<semaphore_mem>>)
    %dma_start3A_28 = arith.constant 96 : i32
    %dma_start3A_29 = arith.constant 0 : i32
    %dma_start3A_30 = tpu.memref_slice %arg6[%dma_start3A_28, %dma_start3A_29] : memref<256x128xf32, #tpu.memory_space<vmem>> -> memref<32x128xf32, #tpu.memory_space<vmem>>
    %dma_start3A_31 = arith.constant 96 : i32
    %dma_start3A_32 = tpu.memref_slice %arg5[%dma_start3A_31] : memref<256xi32, #tpu.memory_space<vmem>> -> memref<32xi32, #tpu.memory_space<vmem>>
    %dma_start3A_33 = arith.constant 0 : i32
    %dma_start3A_34 = arith.constant 0 : i32
    %dma_start3A_35 = tpu.memref_slice %arg7[%dma_start3A_33, %dma_start3A_34] : memref<1024x128xf32, #tpu.memory_space<vmem_shared>> -> memref<1024x128xf32, #tpu.memory_space<vmem_shared>>
    tpu.enqueue_indirect_dma source(%dma_start3A_35 : memref<1024x128xf32, #tpu.memory_space<vmem_shared>>) target(%dma_start3A_30 : memref<32x128xf32, #tpu.memory_space<vmem>>) offsets(%dma_start3A_32 : memref<32xi32, #tpu.memory_space<vmem>>) semaphore(%arg8 : memref<!tpu.dma_semaphore, #tpu.memory_space<semaphore_mem>>)
    %dma_start3A_36 = arith.constant 128 : i32
    %dma_start3A_37 = arith.constant 0 : i32
    %dma_start3A_38 = tpu.memref_slice %arg6[%dma_start3A_36, %dma_start3A_37] : memref<256x128xf32, #tpu.memory_space<vmem>> -> memref<32x128xf32, #tpu.memory_space<vmem>>
    %dma_start3A_39 = arith.constant 128 : i32
    %dma_start3A_40 = tpu.memref_slice %arg5[%dma_start3A_39] : memref<256xi32, #tpu.memory_space<vmem>> -> memref<32xi32, #tpu.memory_space<vmem>>
    %dma_start3A_41 = arith.constant 0 : i32
    %dma_start3A_42 = arith.constant 0 : i32
    %dma_start3A_43 = tpu.memref_slice %arg7[%dma_start3A_41, %dma_start3A_42] : memref<1024x128xf32, #tpu.memory_space<vmem_shared>> -> memref<1024x128xf32, #tpu.memory_space<vmem_shared>>
    tpu.enqueue_indirect_dma source(%dma_start3A_43 : memref<1024x128xf32, #tpu.memory_space<vmem_shared>>) target(%dma_start3A_38 : memref<32x128xf32, #tpu.memory_space<vmem>>) offsets(%dma_start3A_40 : memref<32xi32, #tpu.memory_space<vmem>>) semaphore(%arg8 : memref<!tpu.dma_semaphore, #tpu.memory_space<semaphore_mem>>)
    %dma_start3A_44 = arith.constant 160 : i32
    %dma_start3A_45 = arith.constant 0 : i32
    %dma_start3A_46 = tpu.memref_slice %arg6[%dma_start3A_44, %dma_start3A_45] : memref<256x128xf32, #tpu.memory_space<vmem>> -> memref<32x128xf32, #tpu.memory_space<vmem>>
    %dma_start3A_47 = arith.constant 160 : i32
    %dma_start3A_48 = tpu.memref_slice %arg5[%dma_start3A_47] : memref<256xi32, #tpu.memory_space<vmem>> -> memref<32xi32, #tpu.memory_space<vmem>>
    %dma_start3A_49 = arith.constant 0 : i32
    %dma_start3A_50 = arith.constant 0 : i32
    %dma_start3A_51 = tpu.memref_slice %arg7[%dma_start3A_49, %dma_start3A_50] : memref<1024x128xf32, #tpu.memory_space<vmem_shared>> -> memref<1024x128xf32, #tpu.memory_space<vmem_shared>>
    tpu.enqueue_indirect_dma source(%dma_start3A_51 : memref<1024x128xf32, #tpu.memory_space<vmem_shared>>) target(%dma_start3A_46 : memref<32x128xf32, #tpu.memory_space<vmem>>) offsets(%dma_start3A_48 : memref<32xi32, #tpu.memory_space<vmem>>) semaphore(%arg8 : memref<!tpu.dma_semaphore, #tpu.memory_space<semaphore_mem>>)
    %dma_start3A_52 = arith.constant 192 : i32
    %dma_start3A_53 = arith.constant 0 : i32
    %dma_start3A_54 = tpu.memref_slice %arg6[%dma_start3A_52, %dma_start3A_53] : memref<256x128xf32, #tpu.memory_space<vmem>> -> memref<32x128xf32, #tpu.memory_space<vmem>>
    %dma_start3A_55 = arith.constant 192 : i32
    %dma_start3A_56 = tpu.memref_slice %arg5[%dma_start3A_55] : memref<256xi32, #tpu.memory_space<vmem>> -> memref<32xi32, #tpu.memory_space<vmem>>
    %dma_start3A_57 = arith.constant 0 : i32
    %dma_start3A_58 = arith.constant 0 : i32
    %dma_start3A_59 = tpu.memref_slice %arg7[%dma_start3A_57, %dma_start3A_58] : memref<1024x128xf32, #tpu.memory_space<vmem_shared>> -> memref<1024x128xf32, #tpu.memory_space<vmem_shared>>
    tpu.enqueue_indirect_dma source(%dma_start3A_59 : memref<1024x128xf32, #tpu.memory_space<vmem_shared>>) target(%dma_start3A_54 : memref<32x128xf32, #tpu.memory_space<vmem>>) offsets(%dma_start3A_56 : memref<32xi32, #tpu.memory_space<vmem>>) semaphore(%arg8 : memref<!tpu.dma_semaphore, #tpu.memory_space<semaphore_mem>>)
    %dma_start3A_60 = arith.constant 224 : i32
    %dma_start3A_61 = arith.constant 0 : i32
    %dma_start3A_62 = tpu.memref_slice %arg6[%dma_start3A_60, %dma_start3A_61] : memref<256x128xf32, #tpu.memory_space<vmem>> -> memref<32x128xf32, #tpu.memory_space<vmem>>
    %dma_start3A_63 = arith.constant 224 : i32
    %dma_start3A_64 = tpu.memref_slice %arg5[%dma_start3A_63] : memref<256xi32, #tpu.memory_space<vmem>> -> memref<32xi32, #tpu.memory_space<vmem>>
    %dma_start3A_65 = arith.constant 0 : i32
    %dma_start3A_66 = arith.constant 0 : i32
    %dma_start3A_67 = tpu.memref_slice %arg7[%dma_start3A_65, %dma_start3A_66] : memref<1024x128xf32, #tpu.memory_space<vmem_shared>> -> memref<1024x128xf32, #tpu.memory_space<vmem_shared>>
    tpu.enqueue_indirect_dma source(%dma_start3A_67 : memref<1024x128xf32, #tpu.memory_space<vmem_shared>>) target(%dma_start3A_62 : memref<32x128xf32, #tpu.memory_space<vmem>>) offsets(%dma_start3A_64 : memref<32xi32, #tpu.memory_space<vmem>>) semaphore(%arg8 : memref<!tpu.dma_semaphore, #tpu.memory_space<semaphore_mem>>)
    %dma_wait3A = arith.constant 0 : i32
    %dma_wait3A_68 = arith.constant 0 : i32
    %dma_wait3A_69 = tpu.memref_slice %arg6[%dma_wait3A, %dma_wait3A_68] : memref<256x128xf32, #tpu.memory_space<vmem>> -> memref<32x128xf32, #tpu.memory_space<vmem>>
    %dma_wait3A_70 = arith.constant 0 : i32
    %dma_wait3A_71 = tpu.memref_slice %arg5[%dma_wait3A_70] : memref<256xi32, #tpu.memory_space<vmem>> -> memref<32xi32, #tpu.memory_space<vmem>>
    %dma_wait3A_72 = arith.constant 0 : i32
    %dma_wait3A_73 = arith.constant 0 : i32
    %dma_wait3A_74 = tpu.memref_slice %arg7[%dma_wait3A_72, %dma_wait3A_73] : memref<1024x128xf32, #tpu.memory_space<vmem_shared>> -> memref<1024x128xf32, #tpu.memory_space<vmem_shared>>
    tpu.wait_indirect_dma semaphore(%arg8 : memref<!tpu.dma_semaphore, #tpu.memory_space<semaphore_mem>>) src(%dma_wait3A_74 : memref<1024x128xf32, #tpu.memory_space<vmem_shared>>) dst(%dma_wait3A_69 : memref<32x128xf32, #tpu.memory_space<vmem>>)
    %dma_wait3A_75 = arith.constant 32 : i32
    %dma_wait3A_76 = arith.constant 0 : i32
    %dma_wait3A_77 = tpu.memref_slice %arg6[%dma_wait3A_75, %dma_wait3A_76] : memref<256x128xf32, #tpu.memory_space<vmem>> -> memref<32x128xf32, #tpu.memory_space<vmem>>
    %dma_wait3A_78 = arith.constant 32 : i32
    %dma_wait3A_79 = tpu.memref_slice %arg5[%dma_wait3A_78] : memref<256xi32, #tpu.memory_space<vmem>> -> memref<32xi32, #tpu.memory_space<vmem>>
    %dma_wait3A_80 = arith.constant 0 : i32
    %dma_wait3A_81 = arith.constant 0 : i32
    %dma_wait3A_82 = tpu.memref_slice %arg7[%dma_wait3A_80, %dma_wait3A_81] : memref<1024x128xf32, #tpu.memory_space<vmem_shared>> -> memref<1024x128xf32, #tpu.memory_space<vmem_shared>>
    tpu.wait_indirect_dma semaphore(%arg8 : memref<!tpu.dma_semaphore, #tpu.memory_space<semaphore_mem>>) src(%dma_wait3A_82 : memref<1024x128xf32, #tpu.memory_space<vmem_shared>>) dst(%dma_wait3A_77 : memref<32x128xf32, #tpu.memory_space<vmem>>)
    %dma_wait3A_83 = arith.constant 64 : i32
    %dma_wait3A_84 = arith.constant 0 : i32
    %dma_wait3A_85 = tpu.memref_slice %arg6[%dma_wait3A_83, %dma_wait3A_84] : memref<256x128xf32, #tpu.memory_space<vmem>> -> memref<32x128xf32, #tpu.memory_space<vmem>>
    %dma_wait3A_86 = arith.constant 64 : i32
    %dma_wait3A_87 = tpu.memref_slice %arg5[%dma_wait3A_86] : memref<256xi32, #tpu.memory_space<vmem>> -> memref<32xi32, #tpu.memory_space<vmem>>
    %dma_wait3A_88 = arith.constant 0 : i32
    %dma_wait3A_89 = arith.constant 0 : i32
    %dma_wait3A_90 = tpu.memref_slice %arg7[%dma_wait3A_88, %dma_wait3A_89] : memref<1024x128xf32, #tpu.memory_space<vmem_shared>> -> memref<1024x128xf32, #tpu.memory_space<vmem_shared>>
    tpu.wait_indirect_dma semaphore(%arg8 : memref<!tpu.dma_semaphore, #tpu.memory_space<semaphore_mem>>) src(%dma_wait3A_90 : memref<1024x128xf32, #tpu.memory_space<vmem_shared>>) dst(%dma_wait3A_85 : memref<32x128xf32, #tpu.memory_space<vmem>>)
    %dma_wait3A_91 = arith.constant 96 : i32
    %dma_wait3A_92 = arith.constant 0 : i32
    %dma_wait3A_93 = tpu.memref_slice %arg6[%dma_wait3A_91, %dma_wait3A_92] : memref<256x128xf32, #tpu.memory_space<vmem>> -> memref<32x128xf32, #tpu.memory_space<vmem>>
    %dma_wait3A_94 = arith.constant 96 : i32
    %dma_wait3A_95 = tpu.memref_slice %arg5[%dma_wait3A_94] : memref<256xi32, #tpu.memory_space<vmem>> -> memref<32xi32, #tpu.memory_space<vmem>>
    %dma_wait3A_96 = arith.constant 0 : i32
    %dma_wait3A_97 = arith.constant 0 : i32
    %dma_wait3A_98 = tpu.memref_slice %arg7[%dma_wait3A_96, %dma_wait3A_97] : memref<1024x128xf32, #tpu.memory_space<vmem_shared>> -> memref<1024x128xf32, #tpu.memory_space<vmem_shared>>
    tpu.wait_indirect_dma semaphore(%arg8 : memref<!tpu.dma_semaphore, #tpu.memory_space<semaphore_mem>>) src(%dma_wait3A_98 : memref<1024x128xf32, #tpu.memory_space<vmem_shared>>) dst(%dma_wait3A_93 : memref<32x128xf32, #tpu.memory_space<vmem>>)
    %dma_wait3A_99 = arith.constant 128 : i32
    %dma_wait3A_100 = arith.constant 0 : i32
    %dma_wait3A_101 = tpu.memref_slice %arg6[%dma_wait3A_99, %dma_wait3A_100] : memref<256x128xf32, #tpu.memory_space<vmem>> -> memref<32x128xf32, #tpu.memory_space<vmem>>
    %dma_wait3A_102 = arith.constant 128 : i32
    %dma_wait3A_103 = tpu.memref_slice %arg5[%dma_wait3A_102] : memref<256xi32, #tpu.memory_space<vmem>> -> memref<32xi32, #tpu.memory_space<vmem>>
    %dma_wait3A_104 = arith.constant 0 : i32
    %dma_wait3A_105 = arith.constant 0 : i32
    %dma_wait3A_106 = tpu.memref_slice %arg7[%dma_wait3A_104, %dma_wait3A_105] : memref<1024x128xf32, #tpu.memory_space<vmem_shared>> -> memref<1024x128xf32, #tpu.memory_space<vmem_shared>>
    tpu.wait_indirect_dma semaphore(%arg8 : memref<!tpu.dma_semaphore, #tpu.memory_space<semaphore_mem>>) src(%dma_wait3A_106 : memref<1024x128xf32, #tpu.memory_space<vmem_shared>>) dst(%dma_wait3A_101 : memref<32x128xf32, #tpu.memory_space<vmem>>)
    %dma_wait3A_107 = arith.constant 160 : i32
    %dma_wait3A_108 = arith.constant 0 : i32
    %dma_wait3A_109 = tpu.memref_slice %arg6[%dma_wait3A_107, %dma_wait3A_108] : memref<256x128xf32, #tpu.memory_space<vmem>> -> memref<32x128xf32, #tpu.memory_space<vmem>>
    %dma_wait3A_110 = arith.constant 160 : i32
    %dma_wait3A_111 = tpu.memref_slice %arg5[%dma_wait3A_110] : memref<256xi32, #tpu.memory_space<vmem>> -> memref<32xi32, #tpu.memory_space<vmem>>
    %dma_wait3A_112 = arith.constant 0 : i32
    %dma_wait3A_113 = arith.constant 0 : i32
    %dma_wait3A_114 = tpu.memref_slice %arg7[%dma_wait3A_112, %dma_wait3A_113] : memref<1024x128xf32, #tpu.memory_space<vmem_shared>> -> memref<1024x128xf32, #tpu.memory_space<vmem_shared>>
    tpu.wait_indirect_dma semaphore(%arg8 : memref<!tpu.dma_semaphore, #tpu.memory_space<semaphore_mem>>) src(%dma_wait3A_114 : memref<1024x128xf32, #tpu.memory_space<vmem_shared>>) dst(%dma_wait3A_109 : memref<32x128xf32, #tpu.memory_space<vmem>>)
    %dma_wait3A_115 = arith.constant 192 : i32
    %dma_wait3A_116 = arith.constant 0 : i32
    %dma_wait3A_117 = tpu.memref_slice %arg6[%dma_wait3A_115, %dma_wait3A_116] : memref<256x128xf32, #tpu.memory_space<vmem>> -> memref<32x128xf32, #tpu.memory_space<vmem>>
    %dma_wait3A_118 = arith.constant 192 : i32
    %dma_wait3A_119 = tpu.memref_slice %arg5[%dma_wait3A_118] : memref<256xi32, #tpu.memory_space<vmem>> -> memref<32xi32, #tpu.memory_space<vmem>>
    %dma_wait3A_120 = arith.constant 0 : i32
    %dma_wait3A_121 = arith.constant 0 : i32
    %dma_wait3A_122 = tpu.memref_slice %arg7[%dma_wait3A_120, %dma_wait3A_121] : memref<1024x128xf32, #tpu.memory_space<vmem_shared>> -> memref<1024x128xf32, #tpu.memory_space<vmem_shared>>
    tpu.wait_indirect_dma semaphore(%arg8 : memref<!tpu.dma_semaphore, #tpu.memory_space<semaphore_mem>>) src(%dma_wait3A_122 : memref<1024x128xf32, #tpu.memory_space<vmem_shared>>) dst(%dma_wait3A_117 : memref<32x128xf32, #tpu.memory_space<vmem>>)
    %dma_wait3A_123 = arith.constant 224 : i32
    %dma_wait3A_124 = arith.constant 0 : i32
    %dma_wait3A_125 = tpu.memref_slice %arg6[%dma_wait3A_123, %dma_wait3A_124] : memref<256x128xf32, #tpu.memory_space<vmem>> -> memref<32x128xf32, #tpu.memory_space<vmem>>
    %dma_wait3A_126 = arith.constant 224 : i32
    %dma_wait3A_127 = tpu.memref_slice %arg5[%dma_wait3A_126] : memref<256xi32, #tpu.memory_space<vmem>> -> memref<32xi32, #tpu.memory_space<vmem>>
    %dma_wait3A_128 = arith.constant 0 : i32
    %dma_wait3A_129 = arith.constant 0 : i32
    %dma_wait3A_130 = tpu.memref_slice %arg7[%dma_wait3A_128, %dma_wait3A_129] : memref<1024x128xf32, #tpu.memory_space<vmem_shared>> -> memref<1024x128xf32, #tpu.memory_space<vmem_shared>>
    tpu.wait_indirect_dma semaphore(%arg8 : memref<!tpu.dma_semaphore, #tpu.memory_space<semaphore_mem>>) src(%dma_wait3A_130 : memref<1024x128xf32, #tpu.memory_space<vmem_shared>>) dst(%dma_wait3A_125 : memref<32x128xf32, #tpu.memory_space<vmem>>)
    "tpu.region"() ({
      %run_scoped3A = tpu.sem_alloc : memref<!tpu.dma_semaphore, #tpu.memory_space<semaphore_mem>>
      %dma_start3A_131 = arith.constant 0 : i32
      %dma_start3A_132 = tpu.memref_slice %arg4[%mul3A_2, %dma_start3A_131] : memref<8192x128xf32, #tpu.memory_space<hbm>> -> memref<256x128xf32, #tpu.memory_space<hbm>>
      %dma_start3A_133 = arith.constant 0 : i32
      %dma_start3A_134 = tpu.memref_slice %arg4[%mul3A_2, %dma_start3A_133] : memref<8192x128xf32, #tpu.memory_space<hbm>> -> memref<256x128xf32, #tpu.memory_space<hbm>>
      tpu.enqueue_dma source(%arg6 : memref<256x128xf32, #tpu.memory_space<vmem>>) target(%dma_start3A_134 : memref<256x128xf32, #tpu.memory_space<hbm>>) target_semaphore(%run_scoped3A : memref<!tpu.dma_semaphore, #tpu.memory_space<semaphore_mem>>)
      %dma_wait3A_135 = arith.constant 0 : i32
      %dma_wait3A_136 = tpu.memref_slice %arg4[%mul3A_2, %dma_wait3A_135] : memref<8192x128xf32, #tpu.memory_space<hbm>> -> memref<256x128xf32, #tpu.memory_space<hbm>>
      %dma_wait3A_137 = arith.constant 0 : i32
      %dma_wait3A_138 = tpu.memref_slice %arg4[%mul3A_2, %dma_wait3A_137] : memref<8192x128xf32, #tpu.memory_space<hbm>> -> memref<256x128xf32, #tpu.memory_space<hbm>>
      tpu.wait_dma2 semaphore(%run_scoped3A : memref<!tpu.dma_semaphore, #tpu.memory_space<semaphore_mem>>) src(%arg6 : memref<256x128xf32, #tpu.memory_space<vmem>>) dst(%dma_wait3A_138 : memref<256x128xf32, #tpu.memory_space<hbm>>)
      tpu.yield
    }) : () -> ()
    return
  }
}

module attributes {stable_mosaic.version = 14 : i64} {
  func.func @_enc_body(%arg0: i32, %arg1: memref<2048x768xf32, #tpu.memory_space<vmem>>, %arg2: memref<768x64xf32, #tpu.memory_space<vmem>>, %arg3: memref<1x64xf32, #tpu.memory_space<vmem>>, %arg4: memref<64x128xf32, #tpu.memory_space<vmem>>, %arg5: memref<1x128xf32, #tpu.memory_space<vmem>>, %arg6: memref<128x64xf32, #tpu.memory_space<vmem>>, %arg7: memref<1x64xf32, #tpu.memory_space<vmem>>, %arg8: memref<64x1024xf32, #tpu.memory_space<vmem>>, %arg9: memref<2048x64xf32, #tpu.memory_space<vmem>>, %arg10: memref<2048x1xi32, #tpu.memory_space<vmem>>) attributes {dimension_semantics = [#tpu.dimension_semantics<arbitrary>], iteration_bounds = array<i64: 4>, scalar_prefetch = 0 : i64, scratch_operands = 0 : i64, tpu.core_type = #tpu.core_type<tc>, window_params = [{transform_indices = @transform_0, window_bounds = array<i64: 2048, 768>}, {pipeline_mode = #tpu.pipeline_mode<synchronous>, transform_indices = @transform_1, window_bounds = array<i64: 768, 64>}, {pipeline_mode = #tpu.pipeline_mode<synchronous>, transform_indices = @transform_2, window_bounds = array<i64: 1, 64>}, {pipeline_mode = #tpu.pipeline_mode<synchronous>, transform_indices = @transform_3, window_bounds = array<i64: 64, 128>}, {pipeline_mode = #tpu.pipeline_mode<synchronous>, transform_indices = @transform_4, window_bounds = array<i64: 1, 128>}, {pipeline_mode = #tpu.pipeline_mode<synchronous>, transform_indices = @transform_5, window_bounds = array<i64: 128, 64>}, {pipeline_mode = #tpu.pipeline_mode<synchronous>, transform_indices = @transform_6, window_bounds = array<i64: 1, 64>}, {pipeline_mode = #tpu.pipeline_mode<synchronous>, transform_indices = @transform_7, window_bounds = array<i64: 64, 1024>}, {transform_indices = @transform_8, window_bounds = array<i64: 2048, 64>}, {transform_indices = @transform_9, window_bounds = array<i64: 2048, 1>}]} {
    %get3A = arith.constant 0 : index
    %get3A_0 = arith.constant 0 : index
    %get3A_1 = vector.load %arg1[%get3A, %get3A_0] : memref<2048x768xf32, #tpu.memory_space<vmem>>, vector<2048x768xf32>
    %get3A_2 = arith.constant 0 : index
    %get3A_3 = arith.constant 0 : index
    %get3A_4 = vector.load %arg2[%get3A_2, %get3A_3] : memref<768x64xf32, #tpu.memory_space<vmem>>, vector<768x64xf32>
    %dot_general3A = arith.constant dense<0.000000e+00> : vector<2048x64xf32>
    %dot_general3A_5 = tpu.matmul %get3A_1, %get3A_4, %dot_general3A {dimension_numbers = #tpu.dot_dimension_numbers<[1], [0], [0], [1], [0, 0, 1, 1], [], []>, transpose_lhs_hint = false} : vector<2048x768xf32>, vector<768x64xf32>, vector<2048x64xf32> -> vector<2048x64xf32>
    %get3A_6 = arith.constant 0 : index
    %get3A_7 = arith.constant 0 : index
    %get3A_8 = vector.load %arg3[%get3A_6, %get3A_7] : memref<1x64xf32, #tpu.memory_space<vmem>>, vector<1x64xf32>
    %add3A = vector.broadcast %get3A_8 : vector<1x64xf32> to vector<2048x64xf32>
    %add3A_9 = arith.addf %dot_general3A_5, %add3A : vector<2048x64xf32>
    %integer_pow3A = arith.mulf %add3A_9, %add3A_9 : vector<2048x64xf32>
    %integer_pow3A_10 = arith.mulf %add3A_9, %integer_pow3A : vector<2048x64xf32>
    %mul3A = arith.constant 4.471500e-02 : f32
    %mul3A_11 = vector.broadcast %mul3A : f32 to vector<2048x64xf32>
    %mul3A_12 = arith.mulf %mul3A_11, %integer_pow3A_10 : vector<2048x64xf32>
    %add3A_13 = arith.addf %add3A_9, %mul3A_12 : vector<2048x64xf32>
    %mul3A_14 = arith.constant 0.797884583 : f32
    %mul3A_15 = vector.broadcast %mul3A_14 : f32 to vector<2048x64xf32>
    %mul3A_16 = arith.mulf %mul3A_15, %add3A_13 : vector<2048x64xf32>
    %tanh3A = math.tanh %mul3A_16 : vector<2048x64xf32>
    %add3A_17 = arith.constant 1.000000e+00 : f32
    %add3A_18 = vector.broadcast %add3A_17 : f32 to vector<2048x64xf32>
    %add3A_19 = arith.addf %add3A_18, %tanh3A : vector<2048x64xf32>
    %mul3A_20 = arith.constant 5.000000e-01 : f32
    %mul3A_21 = vector.broadcast %mul3A_20 : f32 to vector<2048x64xf32>
    %mul3A_22 = arith.mulf %mul3A_21, %add3A_19 : vector<2048x64xf32>
    %mul3A_23 = arith.mulf %add3A_9, %mul3A_22 : vector<2048x64xf32>
    %get3A_24 = arith.constant 0 : index
    %get3A_25 = arith.constant 0 : index
    %get3A_26 = vector.load %arg4[%get3A_24, %get3A_25] : memref<64x128xf32, #tpu.memory_space<vmem>>, vector<64x128xf32>
    %dot_general3A_27 = arith.constant dense<0.000000e+00> : vector<2048x128xf32>
    %dot_general3A_28 = tpu.matmul %mul3A_23, %get3A_26, %dot_general3A_27 {dimension_numbers = #tpu.dot_dimension_numbers<[1], [0], [0], [1], [0, 0, 1, 1], [], []>, transpose_lhs_hint = false} : vector<2048x64xf32>, vector<64x128xf32>, vector<2048x128xf32> -> vector<2048x128xf32>
    %get3A_29 = arith.constant 0 : index
    %get3A_30 = arith.constant 0 : index
    %get3A_31 = vector.load %arg5[%get3A_29, %get3A_30] : memref<1x128xf32, #tpu.memory_space<vmem>>, vector<1x128xf32>
    %add3A_32 = vector.broadcast %get3A_31 : vector<1x128xf32> to vector<2048x128xf32>
    %add3A_33 = arith.addf %dot_general3A_28, %add3A_32 : vector<2048x128xf32>
    %integer_pow3A_34 = arith.mulf %add3A_33, %add3A_33 : vector<2048x128xf32>
    %integer_pow3A_35 = arith.mulf %add3A_33, %integer_pow3A_34 : vector<2048x128xf32>
    %mul3A_36 = arith.constant 4.471500e-02 : f32
    %mul3A_37 = vector.broadcast %mul3A_36 : f32 to vector<2048x128xf32>
    %mul3A_38 = arith.mulf %mul3A_37, %integer_pow3A_35 : vector<2048x128xf32>
    %add3A_39 = arith.addf %add3A_33, %mul3A_38 : vector<2048x128xf32>
    %mul3A_40 = arith.constant 0.797884583 : f32
    %mul3A_41 = vector.broadcast %mul3A_40 : f32 to vector<2048x128xf32>
    %mul3A_42 = arith.mulf %mul3A_41, %add3A_39 : vector<2048x128xf32>
    %tanh3A_43 = math.tanh %mul3A_42 : vector<2048x128xf32>
    %add3A_44 = arith.constant 1.000000e+00 : f32
    %add3A_45 = vector.broadcast %add3A_44 : f32 to vector<2048x128xf32>
    %add3A_46 = arith.addf %add3A_45, %tanh3A_43 : vector<2048x128xf32>
    %mul3A_47 = arith.constant 5.000000e-01 : f32
    %mul3A_48 = vector.broadcast %mul3A_47 : f32 to vector<2048x128xf32>
    %mul3A_49 = arith.mulf %mul3A_48, %add3A_46 : vector<2048x128xf32>
    %mul3A_50 = arith.mulf %add3A_33, %mul3A_49 : vector<2048x128xf32>
    %get3A_51 = arith.constant 0 : index
    %get3A_52 = arith.constant 0 : index
    %get3A_53 = vector.load %arg6[%get3A_51, %get3A_52] : memref<128x64xf32, #tpu.memory_space<vmem>>, vector<128x64xf32>
    %dot_general3A_54 = arith.constant dense<0.000000e+00> : vector<2048x64xf32>
    %dot_general3A_55 = tpu.matmul %mul3A_50, %get3A_53, %dot_general3A_54 {dimension_numbers = #tpu.dot_dimension_numbers<[1], [0], [0], [1], [0, 0, 1, 1], [], []>, transpose_lhs_hint = false} : vector<2048x128xf32>, vector<128x64xf32>, vector<2048x64xf32> -> vector<2048x64xf32>
    %get3A_56 = arith.constant 0 : index
    %get3A_57 = arith.constant 0 : index
    %get3A_58 = vector.load %arg7[%get3A_56, %get3A_57] : memref<1x64xf32, #tpu.memory_space<vmem>>, vector<1x64xf32>
    %add3A_59 = vector.broadcast %get3A_58 : vector<1x64xf32> to vector<2048x64xf32>
    %add3A_60 = arith.addf %dot_general3A_55, %add3A_59 : vector<2048x64xf32>
    %get3A_61 = arith.constant 0 : index
    %get3A_62 = arith.constant 0 : index
    %get3A_63 = vector.load %arg8[%get3A_61, %get3A_62] : memref<64x1024xf32, #tpu.memory_space<vmem>>, vector<64x1024xf32>
    %mul3A_64 = arith.mulf %get3A_63, %get3A_63 : vector<64x1024xf32>
    %reduce_sum3A = arith.constant dense<0.000000e+00> : vector<1024xf32>
    %reduce_sum3A_65 = vector.multi_reduction <add>, %mul3A_64, %reduce_sum3A [0] : vector<64x1024xf32> to vector<1024xf32>
    %broadcast_in_dim3A = vector.shape_cast %reduce_sum3A_65 : vector<1024xf32> to vector<1x1024xf32>
    %mul3A_66 = arith.mulf %add3A_60, %add3A_60 : vector<2048x64xf32>
    %reduce_sum3A_67 = arith.constant dense<0.000000e+00> : vector<2048xf32>
    %reduce_sum3A_68 = vector.multi_reduction <add>, %mul3A_66, %reduce_sum3A_67 [1] : vector<2048x64xf32> to vector<2048xf32>
    %broadcast_in_dim3A_69 = vector.shape_cast %reduce_sum3A_68 : vector<2048xf32> to vector<2048x1xf32>
    %add3A_70 = vector.broadcast %broadcast_in_dim3A_69 : vector<2048x1xf32> to vector<2048x1024xf32>
    %add3A_71 = vector.broadcast %broadcast_in_dim3A : vector<1x1024xf32> to vector<2048x1024xf32>
    %add3A_72 = arith.addf %add3A_70, %add3A_71 : vector<2048x1024xf32>
    %dot_general3A_73 = arith.constant dense<0.000000e+00> : vector<2048x1024xf32>
    %dot_general3A_74 = tpu.matmul %add3A_60, %get3A_63, %dot_general3A_73 {dimension_numbers = #tpu.dot_dimension_numbers<[1], [0], [0], [1], [0, 0, 1, 1], [], []>, transpose_lhs_hint = false} : vector<2048x64xf32>, vector<64x1024xf32>, vector<2048x1024xf32> -> vector<2048x1024xf32>
    %mul3A_75 = arith.constant 2.000000e+00 : f32
    %mul3A_76 = vector.broadcast %mul3A_75 : f32 to vector<2048x1024xf32>
    %mul3A_77 = arith.mulf %mul3A_76, %dot_general3A_74 : vector<2048x1024xf32>
    %sub3A = arith.subf %add3A_72, %mul3A_77 : vector<2048x1024xf32>
    %reduce_min3A = arith.constant dense<0x7F800000> : vector<2048xf32>
    %reduce_min3A_78 = vector.multi_reduction <minimumf>, %sub3A, %reduce_min3A [1] : vector<2048x1024xf32> to vector<2048xf32>
    %broadcast_in_dim3A_79 = vector.shape_cast %reduce_min3A_78 : vector<2048xf32> to vector<2048x1xf32>
    %iota3A = tpu.iota {dimensions = array<i32: 1>} : vector<2048x1024xi32>
    %eq3A = vector.broadcast %broadcast_in_dim3A_79 : vector<2048x1xf32> to vector<2048x1024xf32>
    %eq3A_80 = arith.cmpf oeq, %sub3A, %eq3A : vector<2048x1024xf32>
    %jit3A = arith.constant 1024 : i32
    %broadcast_in_dim3A_81 = vector.broadcast %jit3A : i32 to vector<2048x1024xi32>
    %select_n3A = arith.select %eq3A_80, %iota3A, %broadcast_in_dim3A_81 : vector<2048x1024xi1>, vector<2048x1024xi32>
    %reduce_min3A_82 = arith.constant dense<2147483647> : vector<2048xi32>
    %reduce_min3A_83 = vector.multi_reduction <minsi>, %select_n3A, %reduce_min3A_82 [1] : vector<2048x1024xi32> to vector<2048xi32>
    %broadcast_in_dim3A_84 = vector.shape_cast %reduce_min3A_83 : vector<2048xi32> to vector<2048x1xi32>
    %swap3A = arith.constant 0 : index
    %swap3A_85 = arith.constant 0 : index
    %swap3A_86 = vector.load %arg9[%swap3A, %swap3A_85] : memref<2048x64xf32, #tpu.memory_space<vmem>>, vector<2048x64xf32>
    tpu.vector_store %arg9[%swap3A, %swap3A_85], %add3A_60 {strides = array<i32>} : memref<2048x64xf32, #tpu.memory_space<vmem>>, vector<2048x64xf32>,
    %swap3A_87 = arith.constant 0 : index
    %swap3A_88 = arith.constant 0 : index
    %swap3A_89 = vector.load %arg10[%swap3A_87, %swap3A_88] : memref<2048x1xi32, #tpu.memory_space<vmem>>, vector<2048x1xi32>
    tpu.vector_store %arg10[%swap3A_87, %swap3A_88], %broadcast_in_dim3A_84 {strides = array<i32>} : memref<2048x1xi32, #tpu.memory_space<vmem>>, vector<2048x1xi32>,
    return
  }
  func.func @transform_0(%arg0: i32) -> (i32, i32) {
    %c0_i32 = arith.constant 0 : i32
    %c0_i32_0 = arith.constant 0 : i32
    return %arg0, %c0_i32 : i32, i32
  }
  func.func @transform_1(%arg0: i32) -> (i32, i32) {
    %c0_i32 = arith.constant 0 : i32
    %c0_i32_0 = arith.constant 0 : i32
    %c0_i32_1 = arith.constant 0 : i32
    return %c0_i32, %c0_i32_0 : i32, i32
  }
  func.func @transform_2(%arg0: i32) -> (i32, i32) {
    %c0_i32 = arith.constant 0 : i32
    %c0_i32_0 = arith.constant 0 : i32
    %c0_i32_1 = arith.constant 0 : i32
    return %c0_i32, %c0_i32_0 : i32, i32
  }
  func.func @transform_3(%arg0: i32) -> (i32, i32) {
    %c0_i32 = arith.constant 0 : i32
    %c0_i32_0 = arith.constant 0 : i32
    %c0_i32_1 = arith.constant 0 : i32
    return %c0_i32, %c0_i32_0 : i32, i32
  }
  func.func @transform_4(%arg0: i32) -> (i32, i32) {
    %c0_i32 = arith.constant 0 : i32
    %c0_i32_0 = arith.constant 0 : i32
    %c0_i32_1 = arith.constant 0 : i32
    return %c0_i32, %c0_i32_0 : i32, i32
  }
  func.func @transform_5(%arg0: i32) -> (i32, i32) {
    %c0_i32 = arith.constant 0 : i32
    %c0_i32_0 = arith.constant 0 : i32
    %c0_i32_1 = arith.constant 0 : i32
    return %c0_i32, %c0_i32_0 : i32, i32
  }
  func.func @transform_6(%arg0: i32) -> (i32, i32) {
    %c0_i32 = arith.constant 0 : i32
    %c0_i32_0 = arith.constant 0 : i32
    %c0_i32_1 = arith.constant 0 : i32
    return %c0_i32, %c0_i32_0 : i32, i32
  }
  func.func @transform_7(%arg0: i32) -> (i32, i32) {
    %c0_i32 = arith.constant 0 : i32
    %c0_i32_0 = arith.constant 0 : i32
    %c0_i32_1 = arith.constant 0 : i32
    return %c0_i32, %c0_i32_0 : i32, i32
  }
  func.func @transform_8(%arg0: i32) -> (i32, i32) {
    %c0_i32 = arith.constant 0 : i32
    %c0_i32_0 = arith.constant 0 : i32
    return %arg0, %c0_i32 : i32, i32
  }
  func.func @transform_9(%arg0: i32) -> (i32, i32) {
    %c0_i32 = arith.constant 0 : i32
    %c0_i32_0 = arith.constant 0 : i32
    return %arg0, %c0_i32 : i32, i32
  }
}

module attributes {stable_mosaic.version = 14 : i64} {
  func.func @_mid_dec_body(%arg0: i32, %arg1: memref<2048x768xf32, #tpu.memory_space<vmem>>, %arg2: memref<2048x128xf32, #tpu.memory_space<vmem>>, %arg3: memref<2048x64xf32, #tpu.memory_space<vmem>>, %arg4: memref<64x32xf32, #tpu.memory_space<vmem>>, %arg5: memref<1x32xf32, #tpu.memory_space<vmem>>, %arg6: memref<512x32xf32, #tpu.memory_space<vmem>>, %arg7: memref<32x512xf32, #tpu.memory_space<vmem>>, %arg8: memref<32x64xf32, #tpu.memory_space<vmem>>, %arg9: memref<1x64xf32, #tpu.memory_space<vmem>>, %arg10: memref<64x128xf32, #tpu.memory_space<vmem>>, %arg11: memref<1x128xf32, #tpu.memory_space<vmem>>, %arg12: memref<128x768xf32, #tpu.memory_space<vmem>>, %arg13: memref<1x768xf32, #tpu.memory_space<vmem>>, %arg14: memref<2048x64xf32, #tpu.memory_space<vmem>>, %arg15: memref<2048x32xf32, #tpu.memory_space<vmem>>, %arg16: memref<2048x1xi32, #tpu.memory_space<vmem>>, %arg17: memref<1x128xf32, #tpu.memory_space<vmem>>) attributes {dimension_semantics = [#tpu.dimension_semantics<arbitrary>], iteration_bounds = array<i64: 4>, scalar_prefetch = 0 : i64, scratch_operands = 0 : i64, tpu.core_type = #tpu.core_type<tc>, window_params = [{transform_indices = @transform_0, window_bounds = array<i64: 2048, 768>}, {transform_indices = @transform_1, window_bounds = array<i64: 2048, 128>}, {transform_indices = @transform_2, window_bounds = array<i64: 2048, 64>}, {pipeline_mode = #tpu.pipeline_mode<synchronous>, transform_indices = @transform_3, window_bounds = array<i64: 64, 32>}, {pipeline_mode = #tpu.pipeline_mode<synchronous>, transform_indices = @transform_4, window_bounds = array<i64: 1, 32>}, {pipeline_mode = #tpu.pipeline_mode<synchronous>, transform_indices = @transform_5, window_bounds = array<i64: 512, 32>}, {pipeline_mode = #tpu.pipeline_mode<synchronous>, transform_indices = @transform_6, window_bounds = array<i64: 32, 512>}, {pipeline_mode = #tpu.pipeline_mode<synchronous>, transform_indices = @transform_7, window_bounds = array<i64: 32, 64>}, {pipeline_mode = #tpu.pipeline_mode<synchronous>, transform_indices = @transform_8, window_bounds = array<i64: 1, 64>}, {pipeline_mode = #tpu.pipeline_mode<synchronous>, transform_indices = @transform_9, window_bounds = array<i64: 64, 128>}, {pipeline_mode = #tpu.pipeline_mode<synchronous>, transform_indices = @transform_10, window_bounds = array<i64: 1, 128>}, {pipeline_mode = #tpu.pipeline_mode<synchronous>, transform_indices = @transform_11, window_bounds = array<i64: 128, 768>}, {pipeline_mode = #tpu.pipeline_mode<synchronous>, transform_indices = @transform_12, window_bounds = array<i64: 1, 768>}, {transform_indices = @transform_13, window_bounds = array<i64: 2048, 64>}, {transform_indices = @transform_14, window_bounds = array<i64: 2048, 32>}, {transform_indices = @transform_15, window_bounds = array<i64: 2048, 1>}, {pipeline_mode = #tpu.pipeline_mode<synchronous>, transform_indices = @transform_16, window_bounds = array<i64: 1, 128>}]} {
    %get3A = arith.constant 0 : index
    %get3A_0 = arith.constant 0 : index
    %get3A_1 = vector.load %arg2[%get3A, %get3A_0] : memref<2048x128xf32, #tpu.memory_space<vmem>>, vector<2048x128xf32>
    %slice3A = vector.extract_strided_slice %get3A_1 {offsets = [0, 0], sizes = [2048, 64], strides = [1, 1]} : vector<2048x128xf32> to vector<2048x64xf32>
    %get3A_2 = arith.constant 0 : index
    %get3A_3 = arith.constant 0 : index
    %get3A_4 = vector.load %arg4[%get3A_2, %get3A_3] : memref<64x32xf32, #tpu.memory_space<vmem>>, vector<64x32xf32>
    %dot_general3A = arith.constant dense<0.000000e+00> : vector<2048x32xf32>
    %dot_general3A_5 = tpu.matmul %slice3A, %get3A_4, %dot_general3A {dimension_numbers = #tpu.dot_dimension_numbers<[1], [0], [0], [1], [0, 0, 1, 1], [], []>, transpose_lhs_hint = false} : vector<2048x64xf32>, vector<64x32xf32>, vector<2048x32xf32> -> vector<2048x32xf32>
    %get3A_6 = arith.constant 0 : index
    %get3A_7 = arith.constant 0 : index
    %get3A_8 = vector.load %arg5[%get3A_6, %get3A_7] : memref<1x32xf32, #tpu.memory_space<vmem>>, vector<1x32xf32>
    %add3A = vector.broadcast %get3A_8 : vector<1x32xf32> to vector<2048x32xf32>
    %add3A_9 = arith.addf %dot_general3A_5, %add3A : vector<2048x32xf32>
    %get3A_10 = arith.constant 0 : index
    %get3A_11 = arith.constant 0 : index
    %get3A_12 = vector.load %arg7[%get3A_10, %get3A_11] : memref<32x512xf32, #tpu.memory_space<vmem>>, vector<32x512xf32>
    %mul3A = arith.mulf %get3A_12, %get3A_12 : vector<32x512xf32>
    %reduce_sum3A = arith.constant dense<0.000000e+00> : vector<512xf32>
    %reduce_sum3A_13 = vector.multi_reduction <add>, %mul3A, %reduce_sum3A [0] : vector<32x512xf32> to vector<512xf32>
    %broadcast_in_dim3A = vector.shape_cast %reduce_sum3A_13 : vector<512xf32> to vector<1x512xf32>
    %mul3A_14 = arith.mulf %add3A_9, %add3A_9 : vector<2048x32xf32>
    %reduce_sum3A_15 = arith.constant dense<0.000000e+00> : vector<2048xf32>
    %reduce_sum3A_16 = vector.multi_reduction <add>, %mul3A_14, %reduce_sum3A_15 [1] : vector<2048x32xf32> to vector<2048xf32>
    %broadcast_in_dim3A_17 = vector.shape_cast %reduce_sum3A_16 : vector<2048xf32> to vector<2048x1xf32>
    %add3A_18 = vector.broadcast %broadcast_in_dim3A_17 : vector<2048x1xf32> to vector<2048x512xf32>
    %add3A_19 = vector.broadcast %broadcast_in_dim3A : vector<1x512xf32> to vector<2048x512xf32>
    %add3A_20 = arith.addf %add3A_18, %add3A_19 : vector<2048x512xf32>
    %dot_general3A_21 = arith.constant dense<0.000000e+00> : vector<2048x512xf32>
    %dot_general3A_22 = tpu.matmul %add3A_9, %get3A_12, %dot_general3A_21 {dimension_numbers = #tpu.dot_dimension_numbers<[1], [0], [0], [1], [0, 0, 1, 1], [], []>, transpose_lhs_hint = false} : vector<2048x32xf32>, vector<32x512xf32>, vector<2048x512xf32> -> vector<2048x512xf32>
    %mul3A_23 = arith.constant 2.000000e+00 : f32
    %mul3A_24 = vector.broadcast %mul3A_23 : f32 to vector<2048x512xf32>
    %mul3A_25 = arith.mulf %mul3A_24, %dot_general3A_22 : vector<2048x512xf32>
    %sub3A = arith.subf %add3A_20, %mul3A_25 : vector<2048x512xf32>
    %reduce_min3A = arith.constant dense<0x7F800000> : vector<2048xf32>
    %reduce_min3A_26 = vector.multi_reduction <minimumf>, %sub3A, %reduce_min3A [1] : vector<2048x512xf32> to vector<2048xf32>
    %broadcast_in_dim3A_27 = vector.shape_cast %reduce_min3A_26 : vector<2048xf32> to vector<2048x1xf32>
    %iota3A = tpu.iota {dimensions = array<i32: 1>} : vector<2048x512xi32>
    %eq3A = vector.broadcast %broadcast_in_dim3A_27 : vector<2048x1xf32> to vector<2048x512xf32>
    %eq3A_28 = arith.cmpf oeq, %sub3A, %eq3A : vector<2048x512xf32>
    %jit3A = arith.constant 512 : i32
    %broadcast_in_dim3A_29 = vector.broadcast %jit3A : i32 to vector<2048x512xi32>
    %select_n3A = arith.select %eq3A_28, %iota3A, %broadcast_in_dim3A_29 : vector<2048x512xi1>, vector<2048x512xi32>
    %reduce_min3A_30 = arith.constant dense<2147483647> : vector<2048xi32>
    %reduce_min3A_31 = vector.multi_reduction <minsi>, %select_n3A, %reduce_min3A_30 [1] : vector<2048x512xi32> to vector<2048xi32>
    %broadcast_in_dim3A_32 = vector.shape_cast %reduce_min3A_31 : vector<2048xi32> to vector<2048x1xi32>
    %eq3A_33 = vector.broadcast %broadcast_in_dim3A_32 : vector<2048x1xi32> to vector<2048x512xi32>
    %eq3A_34 = arith.cmpi eq, %iota3A, %eq3A_33 : vector<2048x512xi32>
    %convert_element_type3A = arith.extui %eq3A_34 : vector<2048x512xi1> to vector<2048x512xi32>
    %convert_element_type3A_35 = arith.sitofp %convert_element_type3A : vector<2048x512xi32> to vector<2048x512xf32>
    %get3A_36 = arith.constant 0 : index
    %get3A_37 = arith.constant 0 : index
    %get3A_38 = vector.load %arg6[%get3A_36, %get3A_37] : memref<512x32xf32, #tpu.memory_space<vmem>>, vector<512x32xf32>
    %dot_general3A_39 = arith.constant dense<0.000000e+00> : vector<2048x32xf32>
    %dot_general3A_40 = tpu.matmul %convert_element_type3A_35, %get3A_38, %dot_general3A_39 {dimension_numbers = #tpu.dot_dimension_numbers<[1], [0], [0], [1], [0, 0, 1, 1], [], []>, transpose_lhs_hint = false} : vector<2048x512xf32>, vector<512x32xf32>, vector<2048x32xf32> -> vector<2048x32xf32>
    %convert_element_type3A_41 = arith.truncf %dot_general3A_40 : vector<2048x32xf32> to vector<2048x32xbf16>
    %get3A_42 = arith.constant 0 : index
    %get3A_43 = arith.constant 0 : index
    %get3A_44 = vector.load %arg8[%get3A_42, %get3A_43] : memref<32x64xf32, #tpu.memory_space<vmem>>, vector<32x64xf32>
    %convert_element_type3A_45 = arith.truncf %get3A_44 : vector<32x64xf32> to vector<32x64xbf16>
    %dot_general3A_46 = arith.constant dense<0.000000e+00> : vector<2048x64xf32>
    %dot_general3A_47 = tpu.matmul %convert_element_type3A_41, %convert_element_type3A_45, %dot_general3A_46 {dimension_numbers = #tpu.dot_dimension_numbers<[1], [0], [0], [1], [0, 0, 1, 1], [], []>, transpose_lhs_hint = false} : vector<2048x32xbf16>, vector<32x64xbf16>, vector<2048x64xf32> -> vector<2048x64xf32>
    %get3A_48 = arith.constant 0 : index
    %get3A_49 = arith.constant 0 : index
    %get3A_50 = vector.load %arg9[%get3A_48, %get3A_49] : memref<1x64xf32, #tpu.memory_space<vmem>>, vector<1x64xf32>
    %add3A_51 = vector.broadcast %get3A_50 : vector<1x64xf32> to vector<2048x64xf32>
    %add3A_52 = arith.addf %dot_general3A_47, %add3A_51 : vector<2048x64xf32>
    %integer_pow3A = arith.mulf %add3A_52, %add3A_52 : vector<2048x64xf32>
    %integer_pow3A_53 = arith.mulf %add3A_52, %integer_pow3A : vector<2048x64xf32>
    %mul3A_54 = arith.constant 4.471500e-02 : f32
    %mul3A_55 = vector.broadcast %mul3A_54 : f32 to vector<2048x64xf32>
    %mul3A_56 = arith.mulf %mul3A_55, %integer_pow3A_53 : vector<2048x64xf32>
    %add3A_57 = arith.addf %add3A_52, %mul3A_56 : vector<2048x64xf32>
    %mul3A_58 = arith.constant 0.797884583 : f32
    %mul3A_59 = vector.broadcast %mul3A_58 : f32 to vector<2048x64xf32>
    %mul3A_60 = arith.mulf %mul3A_59, %add3A_57 : vector<2048x64xf32>
    %tanh3A = math.tanh %mul3A_60 : vector<2048x64xf32>
    %add3A_61 = arith.constant 1.000000e+00 : f32
    %add3A_62 = vector.broadcast %add3A_61 : f32 to vector<2048x64xf32>
    %add3A_63 = arith.addf %add3A_62, %tanh3A : vector<2048x64xf32>
    %mul3A_64 = arith.constant 5.000000e-01 : f32
    %mul3A_65 = vector.broadcast %mul3A_64 : f32 to vector<2048x64xf32>
    %mul3A_66 = arith.mulf %mul3A_65, %add3A_63 : vector<2048x64xf32>
    %mul3A_67 = arith.mulf %add3A_52, %mul3A_66 : vector<2048x64xf32>
    %convert_element_type3A_68 = arith.truncf %mul3A_67 : vector<2048x64xf32> to vector<2048x64xbf16>
    %get3A_69 = arith.constant 0 : index
    %get3A_70 = arith.constant 0 : index
    %get3A_71 = vector.load %arg10[%get3A_69, %get3A_70] : memref<64x128xf32, #tpu.memory_space<vmem>>, vector<64x128xf32>
    %convert_element_type3A_72 = arith.truncf %get3A_71 : vector<64x128xf32> to vector<64x128xbf16>
    %dot_general3A_73 = arith.constant dense<0.000000e+00> : vector<2048x128xf32>
    %dot_general3A_74 = tpu.matmul %convert_element_type3A_68, %convert_element_type3A_72, %dot_general3A_73 {dimension_numbers = #tpu.dot_dimension_numbers<[1], [0], [0], [1], [0, 0, 1, 1], [], []>, transpose_lhs_hint = false} : vector<2048x64xbf16>, vector<64x128xbf16>, vector<2048x128xf32> -> vector<2048x128xf32>
    %get3A_75 = arith.constant 0 : index
    %get3A_76 = arith.constant 0 : index
    %get3A_77 = vector.load %arg11[%get3A_75, %get3A_76] : memref<1x128xf32, #tpu.memory_space<vmem>>, vector<1x128xf32>
    %add3A_78 = vector.broadcast %get3A_77 : vector<1x128xf32> to vector<2048x128xf32>
    %add3A_79 = arith.addf %dot_general3A_74, %add3A_78 : vector<2048x128xf32>
    %integer_pow3A_80 = arith.mulf %add3A_79, %add3A_79 : vector<2048x128xf32>
    %integer_pow3A_81 = arith.mulf %add3A_79, %integer_pow3A_80 : vector<2048x128xf32>
    %mul3A_82 = arith.constant 4.471500e-02 : f32
    %mul3A_83 = vector.broadcast %mul3A_82 : f32 to vector<2048x128xf32>
    %mul3A_84 = arith.mulf %mul3A_83, %integer_pow3A_81 : vector<2048x128xf32>
    %add3A_85 = arith.addf %add3A_79, %mul3A_84 : vector<2048x128xf32>
    %mul3A_86 = arith.constant 0.797884583 : f32
    %mul3A_87 = vector.broadcast %mul3A_86 : f32 to vector<2048x128xf32>
    %mul3A_88 = arith.mulf %mul3A_87, %add3A_85 : vector<2048x128xf32>
    %tanh3A_89 = math.tanh %mul3A_88 : vector<2048x128xf32>
    %add3A_90 = arith.constant 1.000000e+00 : f32
    %add3A_91 = vector.broadcast %add3A_90 : f32 to vector<2048x128xf32>
    %add3A_92 = arith.addf %add3A_91, %tanh3A_89 : vector<2048x128xf32>
    %mul3A_93 = arith.constant 5.000000e-01 : f32
    %mul3A_94 = vector.broadcast %mul3A_93 : f32 to vector<2048x128xf32>
    %mul3A_95 = arith.mulf %mul3A_94, %add3A_92 : vector<2048x128xf32>
    %mul3A_96 = arith.mulf %add3A_79, %mul3A_95 : vector<2048x128xf32>
    %convert_element_type3A_97 = arith.truncf %mul3A_96 : vector<2048x128xf32> to vector<2048x128xbf16>
    %get3A_98 = arith.constant 0 : index
    %get3A_99 = arith.constant 0 : index
    %get3A_100 = vector.load %arg12[%get3A_98, %get3A_99] : memref<128x768xf32, #tpu.memory_space<vmem>>, vector<128x768xf32>
    %convert_element_type3A_101 = arith.truncf %get3A_100 : vector<128x768xf32> to vector<128x768xbf16>
    %dot_general3A_102 = arith.constant dense<0.000000e+00> : vector<2048x768xf32>
    %dot_general3A_103 = tpu.matmul %convert_element_type3A_97, %convert_element_type3A_101, %dot_general3A_102 {dimension_numbers = #tpu.dot_dimension_numbers<[1], [0], [0], [1], [0, 0, 1, 1], [], []>, transpose_lhs_hint = false} : vector<2048x128xbf16>, vector<128x768xbf16>, vector<2048x768xf32> -> vector<2048x768xf32>
    %get3A_104 = arith.constant 0 : index
    %get3A_105 = arith.constant 0 : index
    %get3A_106 = vector.load %arg13[%get3A_104, %get3A_105] : memref<1x768xf32, #tpu.memory_space<vmem>>, vector<1x768xf32>
    %add3A_107 = vector.broadcast %get3A_106 : vector<1x768xf32> to vector<2048x768xf32>
    %add3A_108 = arith.addf %dot_general3A_103, %add3A_107 : vector<2048x768xf32>
    %get3A_109 = arith.constant 0 : index
    %get3A_110 = arith.constant 0 : index
    %get3A_111 = vector.load %arg1[%get3A_109, %get3A_110] : memref<2048x768xf32, #tpu.memory_space<vmem>>, vector<2048x768xf32>
    %sub3A_112 = arith.subf %add3A_108, %get3A_111 : vector<2048x768xf32>
    %get3A_113 = arith.constant 0 : index
    %get3A_114 = arith.constant 0 : index
    %get3A_115 = vector.load %arg3[%get3A_113, %get3A_114] : memref<2048x64xf32, #tpu.memory_space<vmem>>, vector<2048x64xf32>
    %sub3A_116 = arith.subf %slice3A, %get3A_115 : vector<2048x64xf32>
    %sub3A_117 = arith.subf %dot_general3A_40, %add3A_9 : vector<2048x32xf32>
    %mul3A_118 = arith.mulf %sub3A_112, %sub3A_112 : vector<2048x768xf32>
    %reduce_sum3A_119 = vector.shape_cast %mul3A_118 : vector<2048x768xf32> to vector<1x2048x768xf32>
    %reduce_sum3A_120 = arith.constant dense<0.000000e+00> : vector<1xf32>
    %reduce_sum3A_121 = vector.multi_reduction <add>, %reduce_sum3A_119, %reduce_sum3A_120 [1, 2] : vector<1x2048x768xf32> to vector<1xf32>
    %reduce_sum3A_122 = vector.shape_cast %reduce_sum3A_121 : vector<1xf32> to vector<1x1x1xf32>
    %reduce_sum3A_123 = vector.extract %reduce_sum3A_122[0, 0, 0] : f32 from vector<1x1x1xf32>
    %mul3A_124 = arith.mulf %sub3A_116, %sub3A_116 : vector<2048x64xf32>
    %reduce_sum3A_125 = vector.shape_cast %mul3A_124 : vector<2048x64xf32> to vector<1x2048x64xf32>
    %reduce_sum3A_126 = arith.constant dense<0.000000e+00> : vector<1xf32>
    %reduce_sum3A_127 = vector.multi_reduction <add>, %reduce_sum3A_125, %reduce_sum3A_126 [1, 2] : vector<1x2048x64xf32> to vector<1xf32>
    %reduce_sum3A_128 = vector.shape_cast %reduce_sum3A_127 : vector<1xf32> to vector<1x1x1xf32>
    %reduce_sum3A_129 = vector.extract %reduce_sum3A_128[0, 0, 0] : f32 from vector<1x1x1xf32>
    %mul3A_130 = arith.mulf %sub3A_117, %sub3A_117 : vector<2048x32xf32>
    %reduce_sum3A_131 = vector.shape_cast %mul3A_130 : vector<2048x32xf32> to vector<1x2048x32xf32>
    %reduce_sum3A_132 = arith.constant dense<0.000000e+00> : vector<1xf32>
    %reduce_sum3A_133 = vector.multi_reduction <add>, %reduce_sum3A_131, %reduce_sum3A_132 [1, 2] : vector<1x2048x32xf32> to vector<1xf32>
    %reduce_sum3A_134 = vector.shape_cast %reduce_sum3A_133 : vector<1xf32> to vector<1x1x1xf32>
    %reduce_sum3A_135 = vector.extract %reduce_sum3A_134[0, 0, 0] : f32 from vector<1x1x1xf32>
    %swap3A = arith.constant 0 : index
    %swap3A_136 = arith.constant 0 : index
    %swap3A_137 = vector.load %arg14[%swap3A, %swap3A_136] : memref<2048x64xf32, #tpu.memory_space<vmem>>, vector<2048x64xf32>
    tpu.vector_store %arg14[%swap3A, %swap3A_136], %slice3A {strides = array<i32>} : memref<2048x64xf32, #tpu.memory_space<vmem>>, vector<2048x64xf32>,
    %swap3A_138 = arith.constant 0 : index
    %swap3A_139 = arith.constant 0 : index
    %swap3A_140 = vector.load %arg15[%swap3A_138, %swap3A_139] : memref<2048x32xf32, #tpu.memory_space<vmem>>, vector<2048x32xf32>
    tpu.vector_store %arg15[%swap3A_138, %swap3A_139], %dot_general3A_40 {strides = array<i32>} : memref<2048x32xf32, #tpu.memory_space<vmem>>, vector<2048x32xf32>,
    %swap3A_141 = arith.constant 0 : index
    %swap3A_142 = arith.constant 0 : index
    %swap3A_143 = vector.load %arg16[%swap3A_141, %swap3A_142] : memref<2048x1xi32, #tpu.memory_space<vmem>>, vector<2048x1xi32>
    tpu.vector_store %arg16[%swap3A_141, %swap3A_142], %broadcast_in_dim3A_32 {strides = array<i32>} : memref<2048x1xi32, #tpu.memory_space<vmem>>, vector<2048x1xi32>,
    %iota3A_144 = tpu.iota {dimensions = array<i32: 1>} : vector<1x128xi32>
    %eq3A_145 = arith.constant 0 : i32
    %eq3A_146 = vector.broadcast %eq3A_145 : i32 to vector<1x128xi32>
    %eq3A_147 = arith.cmpi eq, %iota3A_144, %eq3A_146 : vector<1x128xi32>
    %jit3A_148 = arith.constant 0.000000e+00 : f32
    %broadcast_in_dim3A_149 = vector.broadcast %reduce_sum3A_123 : f32 to vector<1x128xf32>
    %broadcast_in_dim3A_150 = vector.broadcast %jit3A_148 : f32 to vector<1x128xf32>
    %select_n3A_151 = arith.select %eq3A_147, %broadcast_in_dim3A_149, %broadcast_in_dim3A_150 : vector<1x128xi1>, vector<1x128xf32>
    %eq3A_152 = arith.constant 1 : i32
    %eq3A_153 = vector.broadcast %eq3A_152 : i32 to vector<1x128xi32>
    %eq3A_154 = arith.cmpi eq, %iota3A_144, %eq3A_153 : vector<1x128xi32>
    %jit3A_155 = arith.constant 0.000000e+00 : f32
    %broadcast_in_dim3A_156 = vector.broadcast %reduce_sum3A_129 : f32 to vector<1x128xf32>
    %broadcast_in_dim3A_157 = vector.broadcast %jit3A_155 : f32 to vector<1x128xf32>
    %select_n3A_158 = arith.select %eq3A_154, %broadcast_in_dim3A_156, %broadcast_in_dim3A_157 : vector<1x128xi1>, vector<1x128xf32>
    %add3A_159 = arith.addf %select_n3A_151, %select_n3A_158 : vector<1x128xf32>
    %eq3A_160 = arith.constant 2 : i32
    %eq3A_161 = vector.broadcast %eq3A_160 : i32 to vector<1x128xi32>
    %eq3A_162 = arith.cmpi eq, %iota3A_144, %eq3A_161 : vector<1x128xi32>
    %jit3A_163 = arith.constant 0.000000e+00 : f32
    %broadcast_in_dim3A_164 = vector.broadcast %reduce_sum3A_135 : f32 to vector<1x128xf32>
    %broadcast_in_dim3A_165 = vector.broadcast %jit3A_163 : f32 to vector<1x128xf32>
    %select_n3A_166 = arith.select %eq3A_162, %broadcast_in_dim3A_164, %broadcast_in_dim3A_165 : vector<1x128xi1>, vector<1x128xf32>
    %add3A_167 = arith.addf %add3A_159, %select_n3A_166 : vector<1x128xf32>
    %eq3A_168 = arith.constant 0 : i32
    %eq3A_169 = arith.cmpi eq, %arg0, %eq3A_168 : i32
    %convert_element_type3A_170 = arith.extui %eq3A_169 : i1 to i32
    %cond3A = arith.constant 0 : i32
    %cond3A_171 = arith.cmpi ne, %convert_element_type3A_170, %cond3A : i32
    scf.if %cond3A_171 {
      %swap3A_176 = arith.constant 0 : index
      %swap3A_177 = arith.constant 0 : index
      %swap3A_178 = vector.load %arg17[%swap3A_176, %swap3A_177] : memref<1x128xf32, #tpu.memory_space<vmem>>, vector<1x128xf32>
      tpu.vector_store %arg17[%swap3A_176, %swap3A_177], %add3A_167 {strides = array<i32>} : memref<1x128xf32, #tpu.memory_space<vmem>>, vector<1x128xf32>,
    } else {
    }
    %gt3A = arith.constant 0 : i32
    %gt3A_172 = arith.cmpi sgt, %arg0, %gt3A : i32
    %convert_element_type3A_173 = arith.extui %gt3A_172 : i1 to i32
    %cond3A_174 = arith.constant 0 : i32
    %cond3A_175 = arith.cmpi ne, %convert_element_type3A_173, %cond3A_174 : i32
    scf.if %cond3A_175 {
      %get3A_176 = arith.constant 0 : index
      %get3A_177 = arith.constant 0 : index
      %get3A_178 = vector.load %arg17[%get3A_176, %get3A_177] : memref<1x128xf32, #tpu.memory_space<vmem>>, vector<1x128xf32>
      %add3A_179 = arith.addf %get3A_178, %add3A_167 : vector<1x128xf32>
      %swap3A_180 = arith.constant 0 : index
      %swap3A_181 = arith.constant 0 : index
      %swap3A_182 = vector.load %arg17[%swap3A_180, %swap3A_181] : memref<1x128xf32, #tpu.memory_space<vmem>>, vector<1x128xf32>
      tpu.vector_store %arg17[%swap3A_180, %swap3A_181], %add3A_179 {strides = array<i32>} : memref<1x128xf32, #tpu.memory_space<vmem>>, vector<1x128xf32>,
    } else {
    }
    return
  }
  func.func @transform_0(%arg0: i32) -> (i32, i32) {
    %c0_i32 = arith.constant 0 : i32
    %c0_i32_0 = arith.constant 0 : i32
    return %arg0, %c0_i32 : i32, i32
  }
  func.func @transform_1(%arg0: i32) -> (i32, i32) {
    %c0_i32 = arith.constant 0 : i32
    %c0_i32_0 = arith.constant 0 : i32
    return %arg0, %c0_i32 : i32, i32
  }
  func.func @transform_2(%arg0: i32) -> (i32, i32) {
    %c0_i32 = arith.constant 0 : i32
    %c0_i32_0 = arith.constant 0 : i32
    return %arg0, %c0_i32 : i32, i32
  }
  func.func @transform_3(%arg0: i32) -> (i32, i32) {
    %c0_i32 = arith.constant 0 : i32
    %c0_i32_0 = arith.constant 0 : i32
    %c0_i32_1 = arith.constant 0 : i32
    return %c0_i32, %c0_i32_0 : i32, i32
  }
  func.func @transform_4(%arg0: i32) -> (i32, i32) {
    %c0_i32 = arith.constant 0 : i32
    %c0_i32_0 = arith.constant 0 : i32
    %c0_i32_1 = arith.constant 0 : i32
    return %c0_i32, %c0_i32_0 : i32, i32
  }
  func.func @transform_5(%arg0: i32) -> (i32, i32) {
    %c0_i32 = arith.constant 0 : i32
    %c0_i32_0 = arith.constant 0 : i32
    %c0_i32_1 = arith.constant 0 : i32
    return %c0_i32, %c0_i32_0 : i32, i32
  }
  func.func @transform_6(%arg0: i32) -> (i32, i32) {
    %c0_i32 = arith.constant 0 : i32
    %c0_i32_0 = arith.constant 0 : i32
    %c0_i32_1 = arith.constant 0 : i32
    return %c0_i32, %c0_i32_0 : i32, i32
  }
  func.func @transform_7(%arg0: i32) -> (i32, i32) {
    %c0_i32 = arith.constant 0 : i32
    %c0_i32_0 = arith.constant 0 : i32
    %c0_i32_1 = arith.constant 0 : i32
    return %c0_i32, %c0_i32_0 : i32, i32
  }
  func.func @transform_8(%arg0: i32) -> (i32, i32) {
    %c0_i32 = arith.constant 0 : i32
    %c0_i32_0 = arith.constant 0 : i32
    %c0_i32_1 = arith.constant 0 : i32
    return %c0_i32, %c0_i32_0 : i32, i32
  }
  func.func @transform_9(%arg0: i32) -> (i32, i32) {
    %c0_i32 = arith.constant 0 : i32
    %c0_i32_0 = arith.constant 0 : i32
    %c0_i32_1 = arith.constant 0 : i32
    return %c0_i32, %c0_i32_0 : i32, i32
  }
  func.func @transform_10(%arg0: i32) -> (i32, i32) {
    %c0_i32 = arith.constant 0 : i32
    %c0_i32_0 = arith.constant 0 : i32
    %c0_i32_1 = arith.constant 0 : i32
    return %c0_i32, %c0_i32_0 : i32, i32
  }
  func.func @transform_11(%arg0: i32) -> (i32, i32) {
    %c0_i32 = arith.constant 0 : i32
    %c0_i32_0 = arith.constant 0 : i32
    %c0_i32_1 = arith.constant 0 : i32
    return %c0_i32, %c0_i32_0 : i32, i32
  }
  func.func @transform_12(%arg0: i32) -> (i32, i32) {
    %c0_i32 = arith.constant 0 : i32
    %c0_i32_0 = arith.constant 0 : i32
    %c0_i32_1 = arith.constant 0 : i32
    return %c0_i32, %c0_i32_0 : i32, i32
  }
  func.func @transform_13(%arg0: i32) -> (i32, i32) {
    %c0_i32 = arith.constant 0 : i32
    %c0_i32_0 = arith.constant 0 : i32
    return %arg0, %c0_i32 : i32, i32
  }
  func.func @transform_14(%arg0: i32) -> (i32, i32) {
    %c0_i32 = arith.constant 0 : i32
    %c0_i32_0 = arith.constant 0 : i32
    return %arg0, %c0_i32 : i32, i32
  }
  func.func @transform_15(%arg0: i32) -> (i32, i32) {
    %c0_i32 = arith.constant 0 : i32
    %c0_i32_0 = arith.constant 0 : i32
    return %arg0, %c0_i32 : i32, i32
  }
  func.func @transform_16(%arg0: i32) -> (i32, i32) {
    %c0_i32 = arith.constant 0 : i32
    %c0_i32_0 = arith.constant 0 : i32
    %c0_i32_1 = arith.constant 0 : i32
    return %c0_i32, %c0_i32_0 : i32, i32
  }
}

</mosaic_0001>

<sc_bundles>
// kernel: kernel.5.cloned.1.call-start
scs
__scs_entry_jumppad:
0x0: {  	(pc) =	sbr.rel $0x88, $3  }
0x1: {  	(tag) =	ssettag $0x0;
	lr =	simm.s32 $0x1  }
0x2: {  	[smem:$0x3F90] =	sst lr;
	_ =	strace $0xD0000000  }
0x3: {  	_ = 	snop  }
0x4: {  	_ = 	snop  }
0x5: {  	_ = 	snop  }
0x6: {  	_ = 	snop  }
0x7: {  	_ = 	snop  }
__scs_overlays_trampoline_lowered:
0x8: {  	[smem:$0x3F9F] =	sst s0  }
0x9: {  	[smem:$0x3FA0] =	sst s1  }
0xa: {  	[smem:$0x3FA1] =	sst s2  }
0xb: {  	[smem:$0x3FA2] =	sst s3  }
0xc: {  	[smem:$0x3FA3] =	sst s4  }
0xd: {  	[smem:$0x3FA4] =	sst s5  }
0xe: {  	[smem:$0x3FA5] =	sst s6  }
0xf: {  	[smem:$0x3FA6] =	sst s7  }
0x10: {  	[smem:$0x3FA7] =	sst s8  }
0x11: {  	[smem:$0x3FA8] =	sst s9;
	s0 =	simm.s32 @!p0 $0x0  }
0x12: {  	s1 =	sld [smem:$0x3F8E];
	s0 =	simm.s32 @p0 $0x1  }
0x13: {  	[smem:$0x3FA9] =	sst s0;
	s0 =	simm.s32 @!p1 $0x0  }
0x14: {  	s2 =	sld [smem:$0x3F8D];
	s0 =	simm.s32 @p1 $0x1  }
0x15: {  	[smem:$0x3FAA] =	sst s0;
	s0 =	simm.s32 @!p2 $0x0  }
0x16: {  	s3 =	sld [smem:$0x3FDB];
	s0 =	simm.s32 @p2 $0x1  }
0x17: {  	s4 =	simm.s32 $0x1BF5;
	[smem:$0x3FAC] =	sst s0  }
0x18: {  	s0 =	sld [smem:$0x3F8F];
	_ =	swait.ge [sflag:s4], $0x0  }
0x19: {  	s7 =	sld [smem:$0x3F90]  }
0x1a: {  	s8 =	sadd.s32 $0xFFFFE003, lr  }
0x1b: {  	s9 =	sadd.s32 $0xFFFFFEF7, lr;
	s5 =	simm.s32 $0xFFFFFFFF;
	p2 =	slt.u32 s8, $0xFFFFF086  }
0x1c: {  	p1 =	slt.u32 s9, $0xF7A;
	s5 =	simm.s32 @!p2 $0x0  }
0x1d: {  	s5 =	simm.s32 @p1 $0x1;
	p0 =	seq.s32 s7, s2  }
0x1e: {  	s7 =	smul.u32 @!p0 $0xF7A, s2;
	p2 =	seq.s32 @!p0 s5, $0x0  }
0x1f: {  	s9 =	smul.u32 $0xF7A, s1;
	s8 =	simm.s32 @!p0 $0x1BF5;
	p2 =	por !p2, p0  }
0x20: {  	[sflag:s8] =	ssyncset.s32 @!p0 $0xFFFFF086;
	s6 =	sadd.s32 @!p0 s3, s7;
	s7 =	simm.s32 @!p0 $0x108  }
0x21: {  	s3 =	sadd.s32 s3, s9;
	s6 =	sadd.s32 @!p0 $0x88, s6;
	s7 =	simm.s32 @p2 $0x1082  }
0x22: {  	[simem:s7], [sflag:s8] =	dma.local @!p0 [hbm:s6], $0xF7A  }
0x23: {  	s9 =	sor.u32 $0xD0000000, s2;
	s6 =	simm.s32 $0x108;
	_ =	swait.ge @!p0 [sflag:s8], $0x0  }
0x24: {  	s3 =	sadd.s32 $0x88, s3;
	s6 =	simm.s32 @!p1 $0x1082;
	[sflag:s4] =	ssyncset.s32 $0xFFFFF086  }
0x25: {  	[simem:s6], [sflag:s4] =	dma.local [hbm:s3], $0xF7A  }
0x26: {  	[smem:$0x3F90] =	sst s1;
	(tag) =	ssettag s2;
	_ =	strace s9  }
0x27: {  	s1 =	sld [smem:$0x3FA0]  }
0x28: {  	s2 =	sld [smem:$0x3FA1]  }
0x29: {  	s4 =	sld [smem:$0x3FA3]  }
0x2a: {  	p0 =	seq.s32 s5, $0x0;
	s5 =	sld [smem:$0x3FA4]  }
0x2b: {  	s6 =	sld [smem:$0x3FA5]  }
0x2c: {  	s7 =	sld [smem:$0x3FA6]  }
0x2d: {  	s3 =	simm.s32 $0x108;
	s8 =	sld [smem:$0x3FA7]  }
0x2e: {  	s3 =	simm.s32 @!p0 $0x1082;
	s9 =	sld [smem:$0x3FA8]  }
0x2f: {  	lr =	sadd.s32 s0, s3;
	s0 =	sld [smem:$0x3F9F]  }
0x30: {  	s3 =	sld [smem:$0x3FA2]  }
0x31: {  	[smem:$0x3FAB] =	sst s10  }
0x32: {  	s10 =	sld [smem:$0x3FA9];
	_ =	sdelay $0x3  }
0x33: {  	p0 =	seq.s32 s10, $0x1;
	s10 =	sld [smem:$0x3FAB];
	_ =	sdelay $0x3  }
0x34: {  	[smem:$0x3FAB] =	sst s10  }
0x35: {  	s10 =	sld [smem:$0x3FAA];
	_ =	sdelay $0x3  }
0x36: {  	p1 =	seq.s32 s10, $0x1;
	s10 =	sld [smem:$0x3FAB];
	_ =	sdelay $0x3  }
0x37: {  	[smem:$0x3FAB] =	sst s10  }
0x38: {  	s10 =	sld [smem:$0x3FAC]  }
0x39: {  	_ = 	snop;
	(pc) =	sbr.ind lr, $3  }
0x3a: {  	_ = 	snop  }
0x3b: {  	_ = 	snop  }
0x3c: {  	p2 =	seq.s32 s10, $0x1;
	s10 =	sld [smem:$0x3FAB]  }
0x3d: {  	_ =	shalt  }
0x3e: {  	_ =	shalt  }
0x3f: {  	_ =	shalt  }
0x40: {  	_ =	shalt  }
0x41: {  	_ =	shalt  }
0x42: {  	_ =	shalt  }
0x43: {  	_ =	shalt  }
0x44: {  	_ =	shalt  }
0x45: {  	_ =	shalt  }
0x46: {  	_ =	shalt  }
0x47: {  	_ =	shalt  }
0x48: {  	_ =	shalt  }
0x49: {  	_ =	shalt  }
0x4a: {  	_ =	shalt  }
0x4b: {  	_ =	shalt  }
0x4c: {  	_ =	shalt  }
0x4d: {  	_ =	shalt  }
0x4e: {  	_ =	shalt  }
0x4f: {  	_ =	shalt  }
0x50: {  	_ =	shalt  }
0x51: {  	_ =	shalt  }
0x52: {  	_ =	shalt  }
0x53: {  	_ =	shalt  }
0x54: {  	_ =	shalt  }
0x55: {  	_ =	shalt  }
0x56: {  	_ =	shalt  }
0x57: {  	_ =	shalt  }
0x58: {  	_ =	shalt  }
0x59: {  	_ =	shalt  }
0x5a: {  	_ =	shalt  }
0x5b: {  	_ =	shalt  }
0x5c: {  	_ =	shalt  }
0x5d: {  	_ =	shalt  }
0x5e: {  	_ =	shalt  }
0x5f: {  	_ =	shalt  }
0x60: {  	_ =	shalt  }
0x61: {  	_ =	shalt  }
0x62: {  	_ =	shalt  }
0x63: {  	_ =	shalt  }
0x64: {  	_ =	shalt  }
0x65: {  	_ =	shalt  }
0x66: {  	_ =	shalt  }
0x67: {  	_ =	shalt  }
0x68: {  	_ =	shalt  }
0x69: {  	_ =	shalt  }
0x6a: {  	_ =	shalt  }
0x6b: {  	_ =	shalt  }
0x6c: {  	_ =	shalt  }
0x6d: {  	_ =	shalt  }
0x6e: {  	_ =	shalt  }
0x6f: {  	_ =	shalt  }
0x70: {  	_ =	shalt  }
0x71: {  	_ =	shalt  }
0x72: {  	_ =	shalt  }
0x73: {  	_ =	shalt  }
0x74: {  	_ =	shalt  }
0x75: {  	_ =	shalt  }
0x76: {  	_ =	shalt  }
0x77: {  	_ =	shalt  }
0x78: {  	_ =	shalt  }
0x79: {  	_ =	shalt  }
0x7a: {  	_ =	shalt  }
0x7b: {  	_ =	shalt  }
0x7c: {  	_ =	shalt  }
0x7d: {  	_ =	shalt  }
0x7e: {  	_ =	shalt  }
0x7f: {  	_ =	shalt  }
0x80: {  	_ =	shalt  }
0x81: {  	_ =	shalt  }
0x82: {  	_ =	shalt  }
0x83: {  	_ =	shalt  }
0x84: {  	_ =	shalt  }
0x85: {  	_ =	shalt  }
0x86: {  	_ =	shalt  }
0x87: {  	_ =	shalt  }
.Lfunc_end0:
.L_simem_size_0:
called_computation_lowered:
.L_overlay_start_0:
0x88: {  	s2 =	sld [smem:$0x3FD9]  }
0x89: {  	s3 =	sld [smem:$0x3FFE];
	_ =	sdelay $0x1  }
0x8a: {  	s1 =	srdreg.scid  }
0x8b: {  	s0 =	sand.u32 $0x1, s1  }
0x8c: {  	s14 =	sshll.u32 s0, $0xA;
	s2 =	sadd.s32 s3, s2  }
0x8d: {  	s2 =	sadd.s32 s2, s14  }
0x8e: {  	[smem:$0x3FB7] =	sst s2  }
0x8f: {  	_ = 	snop  }
0x90: {  	s2 =	sld [smem:$0x3FD0];
	_ =	sdelay $0x2  }
0x91: {  	s15 =	simm.s32 $0xA;
	s4 =	simm.s32 $0x10  }
0x92: {  	[smem:s4], [sflag:s15] =	dma.local [hbm:s2], $0x1  }
0x93: {  	_ =	swait.eq [sflag:s15], $0x1  }
0x94: {  	[sflag:s15] =	ssyncset.done $0x0  }
0x95: {  	s16 =	sld [smem:$0x11];
	[sflag:s15] =	ssyncadd.s32 $0xFFFFFFFF  }
0x96: {  	s17 =	sld [smem:$0x13];
	(tm) =	ssettm $0x1  }
0x97: {  	s18 =	sld [smem:$0x3FFB];
	_ =	sdelay $0x3  }
0x98: {  	_ =	strace s18  }
0x99: {  	s4 =	sld [smem:$0x3FFC];
	_ =	sdelay $0x3  }
0x9a: {  	_ =	strace s4  }
0x9b: {  	s4 =	sld [smem:$0x3FFD];
	_ =	sdelay $0x3  }
0x9c: {  	_ =	strace s4  }
0x9d: {  	_ =	strace $0x8FFFFFFF  }
0x9e: {  	s19 =	sld [smem:$0x3FDB];
	_ =	sdelay $0x1  }
0x9f: {  	s5 =	simm.s32 $_scs_section_size  }
0xa0: {  	s6 =	simm.s32 $_size__tile_overlayer_lowered;
	s7 =	simm.s32 $_tile_overlayer_lowered  }
0xa1: {  	s22 =	simm.s32 $0x1BFF;
	s21 =	sshll.u32 s7, $0x1;
	s4 =	sadd.s32 s5, s19  }
0xa2: {  	s8 =	simm.s32 $0x0;
	s20 =	sshll.u32 s6, $0x1;
	s6 =	sadd.s32 s21, s4  }
0xa3: {  	[timem:s8], [sflag:s22] =	dma.local [hbm:s6], s20  }
0xa4: {  	_ =	swait.ge [sflag:s22], s20  }
0xa5: {  	s5 =	ssub.s32 $0x0, s20;
	[sflag:s22] =	ssyncset.done $0x0  }
0xa6: {  	[sflag:s22] =	ssyncadd.s32 s5;
	_ =	sdelay $0x1  }
0xa7: {  	s23 =	simm.s32 $0x1B8B  }
0xa8: {  	_ =	swait.ge [sflag:s23], $0x1  }
0xa9: {  	[sflag:s23] =	ssyncset.done $0x0  }
0xaa: {  	s25 =	simm.s32 $0x1B8E;
	s24 =	sld [smem:$0x3FFE];
	[sflag:s23] =	ssyncadd.s32 $0xFFFFFFFF  }
0xab: {  	s26 =	simm.s32 $execute0_lowered;
	[smem:$0x3FD2] =	sst s25  }
0xac: {  	s6 =	sshll.u32 s26, $0x1;
	_ =	strace $0x80000046;
	[dreg:$0x1] =	wrdreg $0xFFFFFFFF  }
0xad: {  	s28 =	simm.s32 $_size_execute0_lowered;
	s4 =	sadd.s32 s4, s6;
	[dreg:$0x0] =	wrdreg $0x0  }
0xae: {  	s6 =	sshll.u32 s28, $0x1;
	[dreg:$0x2] =	wrdreg s4  }
0xaf: {  	[dreg:$0x3] =	wrdreg s6  }
0xb0: {  	[dreg:$0x4] =	wrdreg $0xC0  }
0xb1: {  	_ =	task [dreg:s8], $0x5FFFF  }
0xb2: {  	[dreg:$0x1] =	wrdreg $0xFFFFFFFF  }
0xb3: {  	[dreg:$0x0] =	wrdreg $0x60  }
0xb4: {  	[dreg:$0x2] =	wrdreg s16  }
0xb5: {  	[dreg:$0x3] =	wrdreg s17  }
0xb6: {  	[dreg:$0x4] =	wrdreg s24  }
0xb7: {  	[dreg:$0x5] =	wrdreg $0x81000  }
0xb8: {  	[dreg:$0x6] =	wrdreg $0x9  }
0xb9: {  	_ =	task.clear_ibuf [dreg:s8], $0x7FFFF;
	_ =	strace $0x90000046  }
0xba: {  	s29 =	simm.s32 $0x9;
	_ =	strace $0x80000048  }
0xbb: {  	_ =	swait.ge [sflag:s29], $0x1  }
0xbc: {  	[sflag:s29] =	ssyncadd.s32 $0xFFFFFFFF  }
0xbd: {  	_ =	strace $0x90000048  }
0xbe: {  	_ =	sfence  }
0xbf: {  	s30 =	sld [smem:$0x0];
	_ =	sdelay $0x2  }
0xc0: {  	s31 =	sshll.u32 s1, $0xD;
	s1 =	sshrl.u32 s1, $0x2  }
0xc1: {  	s3 =	sand.u32 $0x4000, s31;
	s1 =	sadd.s32 s1, s30  }
0xc2: {  	s0 =	sor.u32 s3, s0;
	s1 =	sshll.u32 s1, $0x11  }
0xc3: {  	s0 =	sor.u32 s1, s0  }
0xc4: {  	s0 =	sadd.s32 $0x8F2B, s0  }
0xc5: {  	[sflag:s0] =	ssyncadd.remote.s32 $0x1  }
0xc6: {  	_ =	sfence.sel $0xFFFF  }
0xc7: {  	[dreg:$0x0] =	wrdreg $0xFFFFFFFF;
	(pc) =	sbr.abs _section_cstart, $3  }
0xc8: {  	[dreg:$0x1] =	wrdreg $0xFFFFFFFF  }
0xc9: {  	_ =	task.clear_ibuf [dreg:s8], $0x2FFFF;
	_ =	strace $0x9FFFFFFF  }
0xca: {  	(tm) =	ssettm $0x7FFFFFFF  }
0xcb: {  	_ =	shalt  }
tec
execute0_lowered:
.L_overlay_start_1:
0x0: {  	(tag) =	ssettag $0x1  }
0x1: {  	s6 =	rddreg [dreg:$0x0]  }
0x2: {  	s2 =	rddreg [dreg:$0x1]  }
0x3: {  	s3 =	rddreg [dreg:$0x2]  }
0x4: {  	s5 =	rddreg [dreg:$0x3]  }
0x5: {  	s0 =	rddreg [dreg:$0x4];
	s4 =	srdreg.scid;
	s1 =	simm.s32 $0x0  }
0x6: {  	s7 =	stileid.u32;
	s11 =	simm.s32 $0x40;
	s12 =	simm.s32 $0x2100  }
0x7: {  	s13 =	simm.s32 $0x60;
	s14 =	simm.s32 $0x3100;
	s4 =	sand.u32 $0x1, s4  }
0x8: {  	s15 =	simm.s32 $0x80;
	s9 =	sshll.u32 s4, $0x8;
	s4 =	ssub.s32 $0x2, s4  }
0x9: {  	s16 =	simm.s32 $0x4100;
	s17 =	simm.s32 $0xA0;
	s10 =	sshrl.u32 s4, $0x1  }
0xa: {  	s18 =	simm.s32 $0x5100;
	s19 =	simm.s32 $0xC0;
	s4 =	ssub.s32 s4, s10  }
0xb: {  	s22 =	simm.s32 $0xE0;
	s23 =	simm.s32 $0x7100;
	s21 =	smax.u32 s4, $0x1  }
0xc: {  	p1 =	por $0x0, $0x0;
	[smem:$0x7FF] =	sst s1;
	s26 =	sadd.s32 $0xFFFFFFFF, s21  }
0xd: {  	s8 =	sshll.u32 s7, $0x9;
	p0 =	sne.s32 s7, $0x0;
	p2 =	sne.s32 s26, $0x0  }
.Ltmp0:
0xe: {  	s7 =	simm.s32 $0x1;
	s8 =	sor.u32 s9, s8;
	(pc) =	sbr.rel @!p2 .LBB2_3-.Ltmp0, $4  }
0xf: {  	_ =	strace $0x80000047;
	s20 =	sshrl.u32 @!p0 s5, $0x3;
	s9 =	sshll.u32 s8, $0x4  }
0x10: {  	s8 =	sshrl.u32 s8, $0x3;
	s10 =	simm.s32 $0x1100;
	s3 =	sadd.s32 s9, s3  }
0x11: {  	s9 =	sadd.s32 s2, s8;
	s8 =	simm.s32 $0x20;
	s4 =	simm.s32 $0x100  }
0x12: {  	s2 =	sadd.s32 $0x2000, s3;
	s3 =	simm.s32 $0x2;
	s21 =	simm.s32 $0x6100  }
0x13: {  	s24 =	simm.s32 @!p0 $0x1C02;
	s25 =	simm.s32 @!p0 $0x2  }
0x14: {  	[spmem:s20], [sflag:s24] =	dma.local @!p0 [hbm:s6], $0x4000  }
0x15: {  	_ =	swait.ge @!p0 [sflag:s25], $0x4000  }
0x16: {  	[sflag:s25] =	ssyncset.done @!p0 $0x0  }
0x17: {  	[sflag:s25] =	ssyncadd.s32 @!p0 $0xFFFFC000  }
0x18: {  	[tilespmem:s1], [sflag:$0x2] =	stream.linear.gather [hbm4b:s9+s1], $0x100, $0x38;
	[tilespmem:$0xA100] =	vst v63  }
0x19: {  	_ =	swait.ge [sflag:s3], $0x100  }
0x1a: {  	[sflag:s3] =	ssyncset.done $0x0  }
0x1b: {  	[sflag:s3] =	ssyncadd.s32 $0xFFFFFF00  }
0x1c: {  	[bflag:$0x0] =	sbarrier.arrive $0xFFFF  }
0x1d: {  	[tilespmem:s4], [sflag:$0x1] =	stream.indirect.gather [spmem:s5], $0x80, s1, s8, $0xb8;
	[tilespmem:$0xA100] =	vst v63  }
0x1e: {  	_ = 	snop  }
0x1f: {  	[tilespmem:s10], [sflag:$0x1] =	stream.indirect.gather [spmem:s5], $0x80, s8, s8, $0xb8;
	[tilespmem:$0xA100] =	vst v63  }
0x20: {  	_ = 	snop  }
0x21: {  	[tilespmem:s12], [sflag:$0x1] =	stream.indirect.gather [spmem:s5], $0x80, s11, s8, $0xb8;
	[tilespmem:$0xA100] =	vst v63  }
0x22: {  	_ = 	snop  }
0x23: {  	[tilespmem:s14], [sflag:$0x1] =	stream.indirect.gather [spmem:s5], $0x80, s13, s8, $0xb8;
	[tilespmem:$0xA100] =	vst v63  }
0x24: {  	_ = 	snop  }
0x25: {  	[tilespmem:s16], [sflag:$0x1] =	stream.indirect.gather [spmem:s5], $0x80, s15, s8, $0xb8;
	[tilespmem:$0xA100] =	vst v63  }
0x26: {  	_ = 	snop  }
0x27: {  	[tilespmem:s18], [sflag:$0x1] =	stream.indirect.gather [spmem:s5], $0x80, s17, s8, $0xb8;
	[tilespmem:$0xA100] =	vst v63  }
0x28: {  	_ = 	snop  }
0x29: {  	[tilespmem:s21], [sflag:$0x1] =	stream.indirect.gather [spmem:s5], $0x80, s19, s8, $0xb8;
	[tilespmem:$0xA100] =	vst v63  }
0x2a: {  	_ = 	snop  }
0x2b: {  	[tilespmem:s23], [sflag:$0x1] =	stream.indirect.gather [spmem:s5], $0x80, s22, s8, $0xb8;
	[tilespmem:$0xA100] =	vst v63  }
0x2c: {  	_ =	swait.ge [sflag:s7], $0x1000  }
0x2d: {  	[sflag:s7] =	ssyncset.done $0x0  }
0x2e: {  	[sflag:s7] =	ssyncadd.s32 $0xFFFFF000  }
0x2f: {  	_ =	swait.ge [sflag:s7], $0x1000  }
0x30: {  	[sflag:s7] =	ssyncset.done $0x0  }
0x31: {  	[sflag:s7] =	ssyncadd.s32 $0xFFFFF000  }
0x32: {  	_ =	swait.ge [sflag:s7], $0x1000  }
0x33: {  	[sflag:s7] =	ssyncset.done $0x0  }
0x34: {  	[sflag:s7] =	ssyncadd.s32 $0xFFFFF000  }
0x35: {  	_ =	swait.ge [sflag:s7], $0x1000  }
0x36: {  	[sflag:s7] =	ssyncset.done $0x0  }
0x37: {  	[sflag:s7] =	ssyncadd.s32 $0xFFFFF000  }
0x38: {  	_ =	swait.ge [sflag:s7], $0x1000  }
0x39: {  	[sflag:s7] =	ssyncset.done $0x0  }
0x3a: {  	[sflag:s7] =	ssyncadd.s32 $0xFFFFF000  }
0x3b: {  	_ =	swait.ge [sflag:s7], $0x1000  }
0x3c: {  	[sflag:s7] =	ssyncset.done $0x0  }
0x3d: {  	[sflag:s7] =	ssyncadd.s32 $0xFFFFF000  }
0x3e: {  	_ =	swait.ge [sflag:s7], $0x1000  }
0x3f: {  	[sflag:s7] =	ssyncset.done $0x0  }
0x40: {  	s26 =	sadd.s32 $0xFFFFFFFF, s26;
	[sflag:s7] =	ssyncadd.s32 $0xFFFFF000  }
0x41: {  	p2 =	sne.s32 s26, $0x0;
	_ =	swait.ge [sflag:s7], $0x1000  }
.Ltmp1:
0x42: {  	[sflag:s7] =	ssyncset.done $0x0;
	(pc) =	sbr.rel @!p2 .LBB2_3-.Ltmp1, $4  }
0x43: {  	[sflag:s7] =	ssyncadd.s32 $0xFFFFF000  }
0x44: {  	[hbm4b:s2+s1] =	stream.linear.scatter [tilespmem:s4], [sflag:$0x2], $0x8000, $0x38;
	[tilespmem:$0xA100] =	vst v63  }
0x45: {  	_ =	swait.ge [sflag:s3], $0x8000  }
0x46: {  	p1 =	por $0x1, $0x1;
	[sflag:s3] =	ssyncset.done $0x0  }
.LBB2_2:
0x47: {  	[sflag:s3] =	ssyncadd.s32 $0xFFFF8000  }
0x48: {  	[spmem:s20], [sflag:s24] =	dma.local @!p0 [hbm:s6], $0x4000  }
0x49: {  	s26 =	sadd.s32 $0xFFFFFFFF, s26;
	_ =	swait.ge @!p0 [sflag:s25], $0x4000  }
0x4a: {  	p2 =	sne.s32 s26, $0x0;
	[sflag:s25] =	ssyncset.done @!p0 $0x0  }
0x4b: {  	[sflag:s25] =	ssyncadd.s32 @!p0 $0xFFFFC000  }
0x4c: {  	[tilespmem:s1], [sflag:$0x2] =	stream.linear.gather [hbm4b:s9+s1], $0x100, $0x38;
	[tilespmem:$0xA100] =	vst v63  }
0x4d: {  	_ =	swait.ge [sflag:s3], $0x100  }
0x4e: {  	[sflag:s3] =	ssyncset.done $0x0  }
0x4f: {  	[sflag:s3] =	ssyncadd.s32 $0xFFFFFF00  }
0x50: {  	[bflag:$0x0] =	sbarrier.arrive $0xFFFF  }
0x51: {  	[tilespmem:s4], [sflag:$0x1] =	stream.indirect.gather [spmem:s5], $0x80, s1, s8, $0xb8;
	[tilespmem:$0xA100] =	vst v63  }
0x52: {  	_ = 	snop  }
0x53: {  	[tilespmem:s10], [sflag:$0x1] =	stream.indirect.gather [spmem:s5], $0x80, s8, s8, $0xb8;
	[tilespmem:$0xA100] =	vst v63  }
0x54: {  	_ = 	snop  }
0x55: {  	[tilespmem:s12], [sflag:$0x1] =	stream.indirect.gather [spmem:s5], $0x80, s11, s8, $0xb8;
	[tilespmem:$0xA100] =	vst v63  }
0x56: {  	_ = 	snop  }
0x57: {  	[tilespmem:s14], [sflag:$0x1] =	stream.indirect.gather [spmem:s5], $0x80, s13, s8, $0xb8;
	[tilespmem:$0xA100] =	vst v63  }
0x58: {  	_ = 	snop  }
0x59: {  	[tilespmem:s16], [sflag:$0x1] =	stream.indirect.gather [spmem:s5], $0x80, s15, s8, $0xb8;
	[tilespmem:$0xA100] =	vst v63  }
0x5a: {  	_ = 	snop  }
0x5b: {  	[tilespmem:s18], [sflag:$0x1] =	stream.indirect.gather [spmem:s5], $0x80, s17, s8, $0xb8;
	[tilespmem:$0xA100] =	vst v63  }
0x5c: {  	_ = 	snop  }
0x5d: {  	[tilespmem:s21], [sflag:$0x1] =	stream.indirect.gather [spmem:s5], $0x80, s19, s8, $0xb8;
	[tilespmem:$0xA100] =	vst v63  }
0x5e: {  	_ = 	snop  }
0x5f: {  	[tilespmem:s23], [sflag:$0x1] =	stream.indirect.gather [spmem:s5], $0x80, s22, s8, $0xb8;
	[tilespmem:$0xA100] =	vst v63  }
0x60: {  	_ =	swait.ge [sflag:s7], $0x1000  }
0x61: {  	[sflag:s7] =	ssyncset.done $0x0  }
0x62: {  	[sflag:s7] =	ssyncadd.s32 $0xFFFFF000  }
0x63: {  	_ =	swait.ge [sflag:s7], $0x1000  }
0x64: {  	[sflag:s7] =	ssyncset.done $0x0  }
0x65: {  	[sflag:s7] =	ssyncadd.s32 $0xFFFFF000  }
0x66: {  	_ =	swait.ge [sflag:s7], $0x1000  }
0x67: {  	[sflag:s7] =	ssyncset.done $0x0  }
0x68: {  	[sflag:s7] =	ssyncadd.s32 $0xFFFFF000  }
0x69: {  	_ =	swait.ge [sflag:s7], $0x1000  }
0x6a: {  	[sflag:s7] =	ssyncset.done $0x0  }
0x6b: {  	[sflag:s7] =	ssyncadd.s32 $0xFFFFF000  }
0x6c: {  	_ =	swait.ge [sflag:s7], $0x1000  }
0x6d: {  	[sflag:s7] =	ssyncset.done $0x0  }
0x6e: {  	[sflag:s7] =	ssyncadd.s32 $0xFFFFF000  }
0x6f: {  	_ =	swait.ge [sflag:s7], $0x1000  }
0x70: {  	[sflag:s7] =	ssyncset.done $0x0  }
0x71: {  	[sflag:s7] =	ssyncadd.s32 $0xFFFFF000  }
0x72: {  	_ =	swait.ge [sflag:s7], $0x1000  }
0x73: {  	[sflag:s7] =	ssyncset.done $0x0  }
0x74: {  	[sflag:s7] =	ssyncadd.s32 $0xFFFFF000  }
0x75: {  	_ =	swait.ge [sflag:s7], $0x1000  }
.Ltmp2:
0x76: {  	[sflag:s7] =	ssyncset.done $0x0;
	(pc) =	sbr.rel @p2 .LBB2_2-.Ltmp2, $4  }
0x77: {  	[sflag:s7] =	ssyncadd.s32 $0xFFFFF000  }
0x78: {  	[hbm4b:s2+s1] =	stream.linear.scatter [tilespmem:s4], [sflag:$0x2], $0x8000, $0x38;
	[tilespmem:$0xA100] =	vst v63  }
0x79: {  	_ =	swait.ge [sflag:s3], $0x8000  }
0x7a: {  	[sflag:s3] =	ssyncset.done $0x0  }
.LBB2_3:
0x7b: {  	s24 =	simm.s32 @!p0 $0x1C02;
	s25 =	simm.s32 @!p0 $0x2;
	[sflag:s3] =	ssyncadd.s32 @p1 $0xFFFF8000  }
0x7c: {  	[spmem:s20], [sflag:s24] =	dma.local @!p0 [hbm:s6], $0x4000  }
0x7d: {  	_ =	swait.ge @!p0 [sflag:s25], $0x4000  }
0x7e: {  	[sflag:s25] =	ssyncset.done @!p0 $0x0  }
0x7f: {  	[sflag:s25] =	ssyncadd.s32 @!p0 $0xFFFFC000  }
0x80: {  	[tilespmem:s1], [sflag:$0x2] =	stream.linear.gather [hbm4b:s9+s1], $0x100, $0x38;
	[tilespmem:$0xA100] =	vst v63  }
0x81: {  	_ =	swait.ge [sflag:s3], $0x100  }
0x82: {  	[sflag:s3] =	ssyncset.done $0x0  }
0x83: {  	[sflag:s3] =	ssyncadd.s32 $0xFFFFFF00  }
0x84: {  	[bflag:$0x0] =	sbarrier.arrive $0xFFFF  }
0x85: {  	[tilespmem:s4], [sflag:$0x1] =	stream.indirect.gather [spmem:s5], $0x80, s1, s8, $0xb8;
	[tilespmem:$0xA100] =	vst v63  }
0x86: {  	_ = 	snop  }
0x87: {  	[tilespmem:s10], [sflag:$0x1] =	stream.indirect.gather [spmem:s5], $0x80, s8, s8, $0xb8;
	[tilespmem:$0xA100] =	vst v63  }
0x88: {  	_ = 	snop  }
0x89: {  	[tilespmem:s12], [sflag:$0x1] =	stream.indirect.gather [spmem:s5], $0x80, s11, s8, $0xb8;
	[tilespmem:$0xA100] =	vst v63  }
0x8a: {  	_ = 	snop  }
0x8b: {  	[tilespmem:s14], [sflag:$0x1] =	stream.indirect.gather [spmem:s5], $0x80, s13, s8, $0xb8;
	[tilespmem:$0xA100] =	vst v63  }
0x8c: {  	_ = 	snop  }
0x8d: {  	[tilespmem:s16], [sflag:$0x1] =	stream.indirect.gather [spmem:s5], $0x80, s15, s8, $0xb8;
	[tilespmem:$0xA100] =	vst v63  }
0x8e: {  	_ = 	snop  }
0x8f: {  	[tilespmem:s18], [sflag:$0x1] =	stream.indirect.gather [spmem:s5], $0x80, s17, s8, $0xb8;
	[tilespmem:$0xA100] =	vst v63  }
0x90: {  	_ = 	snop  }
0x91: {  	[tilespmem:s21], [sflag:$0x1] =	stream.indirect.gather [spmem:s5], $0x80, s19, s8, $0xb8;
	[tilespmem:$0xA100] =	vst v63  }
0x92: {  	_ = 	snop  }
0x93: {  	[tilespmem:s23], [sflag:$0x1] =	stream.indirect.gather [spmem:s5], $0x80, s22, s8, $0xb8;
	[tilespmem:$0xA100] =	vst v63  }
0x94: {  	_ =	swait.ge [sflag:s7], $0x1000  }
0x95: {  	[sflag:s7] =	ssyncset.done $0x0  }
0x96: {  	[sflag:s7] =	ssyncadd.s32 $0xFFFFF000  }
0x97: {  	_ =	swait.ge [sflag:s7], $0x1000  }
0x98: {  	[sflag:s7] =	ssyncset.done $0x0  }
0x99: {  	[sflag:s7] =	ssyncadd.s32 $0xFFFFF000  }
0x9a: {  	_ =	swait.ge [sflag:s7], $0x1000  }
0x9b: {  	[sflag:s7] =	ssyncset.done $0x0  }
0x9c: {  	[sflag:s7] =	ssyncadd.s32 $0xFFFFF000  }
0x9d: {  	_ =	swait.ge [sflag:s7], $0x1000  }
0x9e: {  	[sflag:s7] =	ssyncset.done $0x0  }
0x9f: {  	[sflag:s7] =	ssyncadd.s32 $0xFFFFF000  }
0xa0: {  	_ =	swait.ge [sflag:s7], $0x1000  }
0xa1: {  	[sflag:s7] =	ssyncset.done $0x0  }
0xa2: {  	[sflag:s7] =	ssyncadd.s32 $0xFFFFF000  }
0xa3: {  	_ =	swait.ge [sflag:s7], $0x1000  }
0xa4: {  	[sflag:s7] =	ssyncset.done $0x0  }
0xa5: {  	[sflag:s7] =	ssyncadd.s32 $0xFFFFF000  }
0xa6: {  	_ =	swait.ge [sflag:s7], $0x1000  }
0xa7: {  	[sflag:s7] =	ssyncset.done $0x0  }
0xa8: {  	[sflag:s7] =	ssyncadd.s32 $0xFFFFF000  }
0xa9: {  	_ =	swait.ge [sflag:s7], $0x1000  }
0xaa: {  	[sflag:s7] =	ssyncset.done $0x0  }
0xab: {  	[sflag:s7] =	ssyncadd.s32 $0xFFFFF000  }
0xac: {  	[hbm4b:s2+s1] =	stream.linear.scatter [tilespmem:s4], [sflag:$0x2], $0x8000, $0x38;
	[tilespmem:$0xA100] =	vst v63  }
0xad: {  	_ =	swait.ge [sflag:s3], $0x8000  }
0xae: {  	[sflag:s3] =	ssyncset.done $0x0  }
0xaf: {  	[sflag:s3] =	ssyncadd.s32 $0xFFFF8000  }
0xb0: {  	_ =	sfence.sel $0x180000  }
0xb1: {  	[bflag:$0x0] =	sbarrier.arrive $0xFFFF  }
0xb2: {  	_ =	strace $0x90000047  }
0xb3: {  	s0 =	sadd.s32 @!p0 $0x100000, s0;
	[bflag:$0x2] =	sbarrier.arrive $0xFFFF  }
0xb4: {  	[sflag:s0] =	ssyncadd.tile.s32 @!p0 $0x1;
	_ =	shalt  }
.Lfunc_end2:
_tile_overlayer_lowered:
.L_overlay_start_2:
0xb5: {  	(tag) =	ssettag $0x2  }
0xb6: {  	s0 =	rddreg [dreg:$0x0];
	s2 =	stileid.u32  }
0xb7: {  	s1 =	rddreg [dreg:$0x1];
	p0 =	sne.s32 s2, $0x0  }
0xb8: {  	s3 =	rddreg [dreg:$0x2];
	[bflag:$0x3] =	sbarrier.arrive $0xFFFF;
	s2 =	simm.s32 @!p0 $0x1C02  }
0xb9: {  	[timem:s3], [sflag:s2] =	dma.local @!p0 [hbm:s0], s1  }
0xba: {  	s0 =	simm.s32 @!p0 $0x2  }
0xbb: {  	_ =	swait.ge @!p0 [sflag:s0], s1  }
0xbc: {  	s1 =	ssub.s32 @!p0 $0x0, s1;
	[sflag:s0] =	ssyncset.done @!p0 $0x0  }
0xbd: {  	[sflag:s0] =	ssyncadd.s32 @!p0 s1  }
0xbe: {  	[bflag:$0x3] =	sbarrier.arrive $0xFFFF  }
0xbf: {  	_ =	shalt  }

</sc_bundles>
